<compile_context>
chip_gen: v7x
topology: tpu7x:2x2x1
jax: 0.10.2.dev20260603
libtpu: 0.0.44.dev20260713+nightly
codegen_flags: <defaults>
</compile_context>

<pallas_src>
import functools

import jax
import jax.numpy as jnp
from jax.experimental import pallas as pl
from jax.experimental.pallas import tpu as pltpu
from jax.experimental.pallas import tpu_sc as plsc

D = 1024
F = 2048
T = 8
NTOK = 4096
TEMP = 0.5

TB = 512
NB = NTOK // TB
B = 256
PAD_N = NTOK + T * B
NBLK = PAD_N // B


def _bdot(a, b):
    return jnp.dot(a.astype(jnp.bfloat16), b, preferred_element_type=jnp.float32)


def _gelu(x):
    return 0.5 * x * (1.0 + jax.lax.erf(x * jnp.float32(0.7071067811865476)))



def _router_body(x_ref, wr1_ref, br1_ref, wr2_ref, br2_ref, lg_ref, ti_ref):
    h = _bdot(x_ref[...], wr1_ref[...]) + br1_ref[...]
    h = _gelu(h)
    lg = (_bdot(h, wr2_ref[...]) + br2_ref[...]) / TEMP
    lg_ref[...] = lg
    m = jnp.max(lg, axis=1, keepdims=True)
    col = jax.lax.broadcasted_iota(jnp.int32, (TB, T), 1)
    ti_ref[...] = jnp.min(jnp.where(lg == m, col, T), axis=1, keepdims=True)


def _router(x, Wr1b, br1, Wr2b, br2):
    return pl.pallas_call(
        _router_body,
        grid=(NB,),
        in_specs=[
            pl.BlockSpec((TB, D), lambda j: (j, 0)),
            pl.BlockSpec((D, D), lambda j: (0, 0)),
            pl.BlockSpec((1, D), lambda j: (0, 0)),
            pl.BlockSpec((D, T), lambda j: (0, 0)),
            pl.BlockSpec((1, T), lambda j: (0, 0)),
        ],
        out_specs=[
            pl.BlockSpec((TB, T), lambda j: (j, 0)),
            pl.BlockSpec((TB, 1), lambda j: (j, 0)),
        ],
        out_shape=[
            jax.ShapeDtypeStruct((NTOK, T), jnp.float32),
            jax.ShapeDtypeStruct((NTOK, 1), jnp.int32),
        ],
    )(x, Wr1b, br1, Wr2b, br2)



def _dispatch_body(ti_ref, pos_ref, bexp_ref, bval_ref):
    lane8 = jax.lax.broadcasted_iota(jnp.int32, (1, T), 1)
    oh_full = (ti_ref[...] == lane8).astype(jnp.float32)
    counts = jnp.sum(oh_full, axis=0, keepdims=True).astype(jnp.int32)
    padded = (counts + (B - 1)) & ~(B - 1)
    starts = jnp.zeros((1, T), jnp.int32)
    for k in range(1, T):
        starts = starts + jnp.roll(padded, k, axis=1) * (lane8 >= k)
    used = jnp.sum(padded, axis=1, keepdims=True)

    r = jax.lax.broadcasted_iota(jnp.int32, (TB, TB), 0)
    c = jax.lax.broadcasted_iota(jnp.int32, (TB, TB), 1)
    tril = (r > c).astype(jnp.float32)
    running = starts.astype(jnp.float32)
    for j in range(NB):
        ohc = oh_full[j * TB:(j + 1) * TB, :]
        rank = _bdot(tril, ohc.astype(jnp.bfloat16))
        posc = jnp.sum((rank + running) * ohc, axis=1, keepdims=True)
        pos_ref[j * TB:(j + 1) * TB, :] = posc.astype(jnp.int32)
        running = running + jnp.sum(ohc, axis=0, keepdims=True)

    ends = starts + padded
    brow = jax.lax.broadcasted_iota(jnp.int32, (NBLK, 1), 0) * B
    nb_before = jnp.sum((brow >= ends).astype(jnp.int32), axis=1, keepdims=True)
    bexp_ref[...] = jnp.minimum(nb_before, T - 1)
    bval_ref[...] = (brow < used).astype(jnp.int32)


def _dispatch(tidx2d):
    return pl.pallas_call(
        _dispatch_body,
        out_shape=[
            jax.ShapeDtypeStruct((NTOK, 1), jnp.int32),
            jax.ShapeDtypeStruct((NBLK, 1), jnp.int32),
            jax.ShapeDtypeStruct((NBLK, 1), jnp.int32),
        ],
    )(tidx2d)



N_SUB = 32
ROWS_PER_SUB = NTOK // N_SUB
CH = 32
NCH = ROWS_PER_SUB // CH


def _sc_move(data, pos_row, out_rows, gather):
    mesh = plsc.VectorSubcoreMesh(core_axis_name="core", subcore_axis_name="subcore")

    @functools.partial(
        pl.kernel,
        out_type=jax.ShapeDtypeStruct((out_rows, D), jnp.float32),
        mesh=mesh,
        scratch_types=[
            pltpu.VMEM((1, ROWS_PER_SUB), jnp.int32),
            pltpu.VMEM((CH, D), jnp.float32),
            pltpu.VMEM((CH, D), jnp.float32),
            pltpu.SemaphoreType.DMA,
            pltpu.SemaphoreType.DMA,
            pltpu.SemaphoreType.DMA,
            pltpu.SemaphoreType.DMA,
        ],
    )
    def kernel(d_hbm, i_hbm, o_hbm, idx_buf, b0, b1, si0, si1, so0, so1):
        g = jax.lax.axis_index("core") * 16 + jax.lax.axis_index("subcore")
        row0 = g * ROWS_PER_SUB
        pltpu.async_copy(i_hbm.at[:, pl.ds(row0, ROWS_PER_SUB)], idx_buf, si0).wait()

        bufs = (b0, b1)
        in_sems = (si0, si1)
        out_sems = (so0, so1)

        def copy_in(c, buf, sem):
            if gather:
                src = d_hbm.at[idx_buf.at[0, pl.ds(c * CH, CH)]]
            else:
                src = d_hbm.at[pl.ds(row0 + c * CH, CH), :]
            return pltpu.async_copy(src, buf, sem)

        def copy_out(c, buf, sem):
            if gather:
                dst = o_hbm.at[pl.ds(row0 + c * CH, CH), :]
            else:
                dst = o_hbm.at[idx_buf.at[0, pl.ds(c * CH, CH)]]
            return pltpu.async_copy(buf, dst, sem)

        ins = [None] * NCH
        outs = [None] * NCH
        ins[0] = copy_in(0, bufs[0], in_sems[0])
        ins[1] = copy_in(1, bufs[1], in_sems[1])
        for c in range(NCH):
            if c >= 2:
                outs[c - 2].wait()
                ins[c] = copy_in(c, bufs[c % 2], in_sems[c % 2])
            ins[c].wait()
            outs[c] = copy_out(c, bufs[c % 2], out_sems[c % 2])
        outs[NCH - 2].wait()
        outs[NCH - 1].wait()

    return kernel(data, pos_row)


def _sc_scatter(x, pos_row):
    return _sc_move(x, pos_row, PAD_N, gather=False)


def _sc_gather(y, pos_row):
    return _sc_move(y, pos_row, NTOK, gather=True)



def _ffn_body(bexp_ref, bval_ref, x_ref, w1_ref, b1_ref, w2_ref, b2_ref,
              wo_ref, bo_ref, y_ref):
    j = pl.program_id(0)

    @pl.when(bval_ref[j] == 1)
    def _():
        t = _bdot(x_ref[...], w1_ref[0]) + b1_ref[0]
        t = _gelu(t)
        s = _bdot(t, w2_ref[0]) + b2_ref[0]
        y_ref[...] = _bdot(s, wo_ref[...]) + bo_ref[...]


def _ffn(x_sorted, W1b, bt1, W2b, bt2, Wob, bo, bexp, bval):
    grid_spec = pltpu.PrefetchScalarGridSpec(
        num_scalar_prefetch=2,
        grid=(NBLK,),
        in_specs=[
            pl.BlockSpec((B, D), lambda j, be, bv: (j, 0)),
            pl.BlockSpec((1, D, F), lambda j, be, bv: (be[j], 0, 0)),
            pl.BlockSpec((1, 1, F), lambda j, be, bv: (be[j], 0, 0)),
            pl.BlockSpec((1, F, D), lambda j, be, bv: (be[j], 0, 0)),
            pl.BlockSpec((1, 1, D), lambda j, be, bv: (be[j], 0, 0)),
            pl.BlockSpec((D, D), lambda j, be, bv: (0, 0)),
            pl.BlockSpec((1, D), lambda j, be, bv: (0, 0)),
        ],
        out_specs=pl.BlockSpec((B, D), lambda j, be, bv: (j, 0)),
    )
    return pl.pallas_call(
        _ffn_body,
        grid_spec=grid_spec,
        out_shape=jax.ShapeDtypeStruct((PAD_N, D), jnp.float32),
    )(bexp, bval, x_sorted, W1b, bt1, W2b, bt2, Wob, bo)



def kernel(x, Wr1, br1, Wr2, br2, Wt1, bt1, Wt2, bt2, Wo, bo):
    bf = jnp.bfloat16
    logits, tidx2d = _router(x, Wr1.astype(bf), br1.reshape(1, D),
                             Wr2.astype(bf), br2.reshape(1, T))
    pos2d, bexp2, bval2 = _dispatch(tidx2d)
    pos_row = pos2d.reshape(1, NTOK)
    x_sorted = _sc_scatter(x, pos_row)
    y = _ffn(x_sorted, Wt1.astype(bf), bt1.reshape(T, 1, F),
             Wt2.astype(bf), bt2.reshape(T, 1, D),
             Wo.astype(bf), bo.reshape(1, D),
             bexp2.reshape(NBLK), bval2.reshape(NBLK))
    output = _sc_gather(y, pos_row)
    return (output, tidx2d.reshape(NTOK), logits)

# --- scband reference (transcript-rebuilt; emitter-appended) ---
"""Pipeline reference for scband-programmed-tile-ffn-63806034149898 (READ-ONLY COPY).

The authoritative reference and input builder live on the scoring server;
editing this copy changes nothing except your own understanding.
"""

import jax, jax.numpy as jnp
import numpy as np

D = 1024
T = 8
NTOK = 4096
TEMP = 0.5


def setup_inputs(seed: int = 0) -> dict:
    key = jax.random.key(seed)
    ks = jax.random.split(key, 8)
    s = 0.02
    x = jax.random.normal(ks[0], (NTOK, D), dtype=jnp.float32)
    Wr1 = jax.random.normal(ks[1], (D, D), dtype=jnp.float32) * s
    br1 = jnp.zeros((D,), dtype=jnp.float32)
    Wr2 = jax.random.normal(ks[2], (D, T), dtype=jnp.float32) * s
    br2 = jnp.zeros((T,), dtype=jnp.float32)
    Wt1 = jax.random.normal(ks[3], (T, D, 2 * D), dtype=jnp.float32) * s
    bt1 = jnp.zeros((T, 2 * D), dtype=jnp.float32)
    Wt2 = jax.random.normal(ks[4], (T, 2 * D, D), dtype=jnp.float32) * s
    bt2 = jnp.zeros((T, D), dtype=jnp.float32)
    Wo = jax.random.normal(ks[5], (D, D), dtype=jnp.float32) * s
    bo = jnp.zeros((D,), dtype=jnp.float32)
    return {"x": x, "Wr1": Wr1, "br1": br1, "Wr2": Wr2, "br2": br2,
            "Wt1": Wt1, "bt1": bt1, "Wt2": Wt2, "bt2": bt2, "Wo": Wo, "bo": bo}


def reference(x, Wr1, br1, Wr2, br2, Wt1, bt1, Wt2, bt2, Wo, bo):
    # router: Linear -> GELU -> Linear, divided by temperature
    h = jax.nn.gelu(x @ Wr1 + br1, approximate=False)
    route_logits = (h @ Wr2 + br2) / TEMP
    tile_idx = jnp.argmax(route_logits, axis=-1)  # hard_route=True
    # compute every tile's FFN output, then select per-token (math-equivalent
    # to the per-sample loop in the torch reference)
    th = jax.nn.gelu(jnp.einsum('bd,tdf->btf', x, Wt1) + bt1[None, :, :], approximate=False)
    tile_outputs = jnp.einsum('btf,tfd->btd', th, Wt2) + bt2[None, :, :]
    sel = jnp.take_along_axis(tile_outputs, tile_idx[:, None, None], axis=1)[:, 0, :]
    output = sel @ Wo + bo
    return (output, tile_idx, route_logits)

if __name__ == "__main__":
    import jax
    _d = setup_inputs()
    print(jax.jit(kernel)(*tuple(_d.values())))

</pallas_src>

<mosaic_0001>
#map = affine_map<(d0, d1) -> (0, 0)>
module attributes {stable_mosaic.version = 14 : i64} {
  func.func @kernel(%arg0: i32, %arg1: i32, %arg2: memref<6144x1024xf32, #tpu.memory_space<hbm>>, %arg3: memref<1x4096xi32, #tpu.memory_space<hbm>>, %arg4: memref<4096x1024xf32, #tpu.memory_space<hbm>>, %arg5: memref<1x128xi32, #tpu.memory_space<vmem>>, %arg6: memref<32x1024xf32, #tpu.memory_space<vmem>>, %arg7: memref<32x1024xf32, #tpu.memory_space<vmem>>, %arg8: memref<!tpu.dma_semaphore, #tpu.memory_space<semaphore_mem>>, %arg9: memref<!tpu.dma_semaphore, #tpu.memory_space<semaphore_mem>>, %arg10: memref<!tpu.dma_semaphore, #tpu.memory_space<semaphore_mem>>, %arg11: memref<!tpu.dma_semaphore, #tpu.memory_space<semaphore_mem>>) attributes {dimension_semantics = [#tpu.dimension_semantics<core_parallel>, #tpu.dimension_semantics<subcore_parallel>], iteration_bounds = array<i64: 2, 16>, scalar_prefetch = 0 : i64, scratch_operands = 7 : i64, tpu.core_type = #tpu.core_type<sc_vector_subcore>, window_params = [{transform_indices = #map}, {transform_indices = #map}, {transform_indices = #map}]} {
    %mul3A = arith.constant 16 : i32
    %mul3A_0 = arith.muli %arg0, %mul3A : i32
    %add3A = arith.addi %mul3A_0, %arg1 : i32
    %mul3A_1 = arith.constant 128 : i32
    %mul3A_2 = arith.muli %add3A, %mul3A_1 : i32
    %dma_start3A = arith.constant 0 : i32
    %dma_start3A_3 = tpu.memref_slice %arg3[%dma_start3A, %mul3A_2] : memref<1x4096xi32, #tpu.memory_space<hbm>> -> memref<1x128xi32, #tpu.memory_space<hbm>>
    %dma_start3A_4 = arith.constant 0 : i32
    %dma_start3A_5 = tpu.memref_slice %arg3[%dma_start3A_4, %mul3A_2] : memref<1x4096xi32, #tpu.memory_space<hbm>> -> memref<1x128xi32, #tpu.memory_space<hbm>>
    tpu.enqueue_dma source(%dma_start3A_5 : memref<1x128xi32, #tpu.memory_space<hbm>>) target(%arg5 : memref<1x128xi32, #tpu.memory_space<vmem>>) target_semaphore(%arg8 : memref<!tpu.dma_semaphore, #tpu.memory_space<semaphore_mem>>)
    %dma_wait3A = arith.constant 0 : i32
    %dma_wait3A_6 = tpu.memref_slice %arg3[%dma_wait3A, %mul3A_2] : memref<1x4096xi32, #tpu.memory_space<hbm>> -> memref<1x128xi32, #tpu.memory_space<hbm>>
    %dma_wait3A_7 = arith.constant 0 : i32
    %dma_wait3A_8 = tpu.memref_slice %arg3[%dma_wait3A_7, %mul3A_2] : memref<1x4096xi32, #tpu.memory_space<hbm>> -> memref<1x128xi32, #tpu.memory_space<hbm>>
    tpu.wait_dma2 semaphore(%arg8 : memref<!tpu.dma_semaphore, #tpu.memory_space<semaphore_mem>>) src(%dma_wait3A_8 : memref<1x128xi32, #tpu.memory_space<hbm>>) dst(%arg5 : memref<1x128xi32, #tpu.memory_space<vmem>>)
    %dma_start3A_9 = arith.constant 0 : i32
    %dma_start3A_10 = arith.constant 0 : i32
    %dma_start3A_11 = tpu.memref_slice %arg5[%dma_start3A_9, %dma_start3A_10] : memref<1x128xi32, #tpu.memory_space<vmem>> -> memref<1x32xi32, #tpu.memory_space<vmem>>
    %dma_start3A_12 = tpu.memref_squeeze %dma_start3A_11 : memref<1x32xi32, #tpu.memory_space<vmem>> -> memref<32xi32, #tpu.memory_space<vmem>>
    %dma_start3A_13 = arith.constant 0 : i32
    %dma_start3A_14 = arith.constant 0 : i32
    %dma_start3A_15 = tpu.memref_slice %arg2[%dma_start3A_13, %dma_start3A_14] : memref<6144x1024xf32, #tpu.memory_space<hbm>> -> memref<6144x1024xf32, #tpu.memory_space<hbm>>
    tpu.enqueue_indirect_dma source(%dma_start3A_15 : memref<6144x1024xf32, #tpu.memory_space<hbm>>) target(%arg6 : memref<32x1024xf32, #tpu.memory_space<vmem>>) offsets(%dma_start3A_12 : memref<32xi32, #tpu.memory_space<vmem>>) semaphore(%arg8 : memref<!tpu.dma_semaphore, #tpu.memory_space<semaphore_mem>>)
    %dma_start3A_16 = arith.constant 0 : i32
    %dma_start3A_17 = arith.constant 32 : i32
    %dma_start3A_18 = tpu.memref_slice %arg5[%dma_start3A_16, %dma_start3A_17] : memref<1x128xi32, #tpu.memory_space<vmem>> -> memref<1x32xi32, #tpu.memory_space<vmem>>
    %dma_start3A_19 = tpu.memref_squeeze %dma_start3A_18 : memref<1x32xi32, #tpu.memory_space<vmem>> -> memref<32xi32, #tpu.memory_space<vmem>>
    %dma_start3A_20 = arith.constant 0 : i32
    %dma_start3A_21 = arith.constant 0 : i32
    %dma_start3A_22 = tpu.memref_slice %arg2[%dma_start3A_20, %dma_start3A_21] : memref<6144x1024xf32, #tpu.memory_space<hbm>> -> memref<6144x1024xf32, #tpu.memory_space<hbm>>
    tpu.enqueue_indirect_dma source(%dma_start3A_22 : memref<6144x1024xf32, #tpu.memory_space<hbm>>) target(%arg7 : memref<32x1024xf32, #tpu.memory_space<vmem>>) offsets(%dma_start3A_19 : memref<32xi32, #tpu.memory_space<vmem>>) semaphore(%arg9 : memref<!tpu.dma_semaphore, #tpu.memory_space<semaphore_mem>>)
    %dma_wait3A_23 = arith.constant 0 : i32
    %dma_wait3A_24 = arith.constant 0 : i32
    %dma_wait3A_25 = tpu.memref_slice %arg5[%dma_wait3A_23, %dma_wait3A_24] : memref<1x128xi32, #tpu.memory_space<vmem>> -> memref<1x32xi32, #tpu.memory_space<vmem>>
    %dma_wait3A_26 = tpu.memref_squeeze %dma_wait3A_25 : memref<1x32xi32, #tpu.memory_space<vmem>> -> memref<32xi32, #tpu.memory_space<vmem>>
    %dma_wait3A_27 = arith.constant 0 : i32
    %dma_wait3A_28 = arith.constant 0 : i32
    %dma_wait3A_29 = tpu.memref_slice %arg2[%dma_wait3A_27, %dma_wait3A_28] : memref<6144x1024xf32, #tpu.memory_space<hbm>> -> memref<6144x1024xf32, #tpu.memory_space<hbm>>
    tpu.wait_indirect_dma semaphore(%arg8 : memref<!tpu.dma_semaphore, #tpu.memory_space<semaphore_mem>>) src(%dma_wait3A_29 : memref<6144x1024xf32, #tpu.memory_space<hbm>>) dst(%arg6 : memref<32x1024xf32, #tpu.memory_space<vmem>>)
    %add3A_30 = arith.constant 0 : i32
    %add3A_31 = arith.addi %mul3A_2, %add3A_30 : i32
    %dma_start3A_32 = arith.constant 0 : i32
    %dma_start3A_33 = tpu.memref_slice %arg4[%add3A_31, %dma_start3A_32] : memref<4096x1024xf32, #tpu.memory_space<hbm>> -> memref<32x1024xf32, #tpu.memory_space<hbm>>
    %dma_start3A_34 = arith.constant 0 : i32
    %dma_start3A_35 = tpu.memref_slice %arg4[%add3A_31, %dma_start3A_34] : memref<4096x1024xf32, #tpu.memory_space<hbm>> -> memref<32x1024xf32, #tpu.memory_space<hbm>>
    tpu.enqueue_dma source(%arg6 : memref<32x1024xf32, #tpu.memory_space<vmem>>) target(%dma_start3A_35 : memref<32x1024xf32, #tpu.memory_space<hbm>>) target_semaphore(%arg10 : memref<!tpu.dma_semaphore, #tpu.memory_space<semaphore_mem>>)
    %dma_wait3A_36 = arith.constant 0 : i32
    %dma_wait3A_37 = arith.constant 32 : i32
    %dma_wait3A_38 = tpu.memref_slice %arg5[%dma_wait3A_36, %dma_wait3A_37] : memref<1x128xi32, #tpu.memory_space<vmem>> -> memref<1x32xi32, #tpu.memory_space<vmem>>
    %dma_wait3A_39 = tpu.memref_squeeze %dma_wait3A_38 : memref<1x32xi32, #tpu.memory_space<vmem>> -> memref<32xi32, #tpu.memory_space<vmem>>
    %dma_wait3A_40 = arith.constant 0 : i32
    %dma_wait3A_41 = arith.constant 0 : i32
    %dma_wait3A_42 = tpu.memref_slice %arg2[%dma_wait3A_40, %dma_wait3A_41] : memref<6144x1024xf32, #tpu.memory_space<hbm>> -> memref<6144x1024xf32, #tpu.memory_space<hbm>>
    tpu.wait_indirect_dma semaphore(%arg9 : memref<!tpu.dma_semaphore, #tpu.memory_space<semaphore_mem>>) src(%dma_wait3A_42 : memref<6144x1024xf32, #tpu.memory_space<hbm>>) dst(%arg7 : memref<32x1024xf32, #tpu.memory_space<vmem>>)
    %add3A_43 = arith.constant 32 : i32
    %add3A_44 = arith.addi %mul3A_2, %add3A_43 : i32
    %dma_start3A_45 = arith.constant 0 : i32
    %dma_start3A_46 = tpu.memref_slice %arg4[%add3A_44, %dma_start3A_45] : memref<4096x1024xf32, #tpu.memory_space<hbm>> -> memref<32x1024xf32, #tpu.memory_space<hbm>>
    %dma_start3A_47 = arith.constant 0 : i32
    %dma_start3A_48 = tpu.memref_slice %arg4[%add3A_44, %dma_start3A_47] : memref<4096x1024xf32, #tpu.memory_space<hbm>> -> memref<32x1024xf32, #tpu.memory_space<hbm>>
    tpu.enqueue_dma source(%arg7 : memref<32x1024xf32, #tpu.memory_space<vmem>>) target(%dma_start3A_48 : memref<32x1024xf32, #tpu.memory_space<hbm>>) target_semaphore(%arg11 : memref<!tpu.dma_semaphore, #tpu.memory_space<semaphore_mem>>)
    %dma_wait3A_49 = arith.constant 0 : i32
    %dma_wait3A_50 = tpu.memref_slice %arg4[%add3A_31, %dma_wait3A_49] : memref<4096x1024xf32, #tpu.memory_space<hbm>> -> memref<32x1024xf32, #tpu.memory_space<hbm>>
    %dma_wait3A_51 = arith.constant 0 : i32
    %dma_wait3A_52 = tpu.memref_slice %arg4[%add3A_31, %dma_wait3A_51] : memref<4096x1024xf32, #tpu.memory_space<hbm>> -> memref<32x1024xf32, #tpu.memory_space<hbm>>
    tpu.wait_dma2 semaphore(%arg10 : memref<!tpu.dma_semaphore, #tpu.memory_space<semaphore_mem>>) src(%arg6 : memref<32x1024xf32, #tpu.memory_space<vmem>>) dst(%dma_wait3A_52 : memref<32x1024xf32, #tpu.memory_space<hbm>>)
    %dma_start3A_53 = arith.constant 0 : i32
    %dma_start3A_54 = arith.constant 64 : i32
    %dma_start3A_55 = tpu.memref_slice %arg5[%dma_start3A_53, %dma_start3A_54] : memref<1x128xi32, #tpu.memory_space<vmem>> -> memref<1x32xi32, #tpu.memory_space<vmem>>
    %dma_start3A_56 = tpu.memref_squeeze %dma_start3A_55 : memref<1x32xi32, #tpu.memory_space<vmem>> -> memref<32xi32, #tpu.memory_space<vmem>>
    %dma_start3A_57 = arith.constant 0 : i32
    %dma_start3A_58 = arith.constant 0 : i32
    %dma_start3A_59 = tpu.memref_slice %arg2[%dma_start3A_57, %dma_start3A_58] : memref<6144x1024xf32, #tpu.memory_space<hbm>> -> memref<6144x1024xf32, #tpu.memory_space<hbm>>
    tpu.enqueue_indirect_dma source(%dma_start3A_59 : memref<6144x1024xf32, #tpu.memory_space<hbm>>) target(%arg6 : memref<32x1024xf32, #tpu.memory_space<vmem>>) offsets(%dma_start3A_56 : memref<32xi32, #tpu.memory_space<vmem>>) semaphore(%arg8 : memref<!tpu.dma_semaphore, #tpu.memory_space<semaphore_mem>>)
    %dma_wait3A_60 = arith.constant 0 : i32
    %dma_wait3A_61 = arith.constant 64 : i32
    %dma_wait3A_62 = tpu.memref_slice %arg5[%dma_wait3A_60, %dma_wait3A_61] : memref<1x128xi32, #tpu.memory_space<vmem>> -> memref<1x32xi32, #tpu.memory_space<vmem>>
    %dma_wait3A_63 = tpu.memref_squeeze %dma_wait3A_62 : memref<1x32xi32, #tpu.memory_space<vmem>> -> memref<32xi32, #tpu.memory_space<vmem>>
    %dma_wait3A_64 = arith.constant 0 : i32
    %dma_wait3A_65 = arith.constant 0 : i32
    %dma_wait3A_66 = tpu.memref_slice %arg2[%dma_wait3A_64, %dma_wait3A_65] : memref<6144x1024xf32, #tpu.memory_space<hbm>> -> memref<6144x1024xf32, #tpu.memory_space<hbm>>
    tpu.wait_indirect_dma semaphore(%arg8 : memref<!tpu.dma_semaphore, #tpu.memory_space<semaphore_mem>>) src(%dma_wait3A_66 : memref<6144x1024xf32, #tpu.memory_space<hbm>>) dst(%arg6 : memref<32x1024xf32, #tpu.memory_space<vmem>>)
    %add3A_67 = arith.constant 64 : i32
    %add3A_68 = arith.addi %mul3A_2, %add3A_67 : i32
    %dma_start3A_69 = arith.constant 0 : i32
    %dma_start3A_70 = tpu.memref_slice %arg4[%add3A_68, %dma_start3A_69] : memref<4096x1024xf32, #tpu.memory_space<hbm>> -> memref<32x1024xf32, #tpu.memory_space<hbm>>
    %dma_start3A_71 = arith.constant 0 : i32
    %dma_start3A_72 = tpu.memref_slice %arg4[%add3A_68, %dma_start3A_71] : memref<4096x1024xf32, #tpu.memory_space<hbm>> -> memref<32x1024xf32, #tpu.memory_space<hbm>>
    tpu.enqueue_dma source(%arg6 : memref<32x1024xf32, #tpu.memory_space<vmem>>) target(%dma_start3A_72 : memref<32x1024xf32, #tpu.memory_space<hbm>>) target_semaphore(%arg10 : memref<!tpu.dma_semaphore, #tpu.memory_space<semaphore_mem>>)
    %dma_wait3A_73 = arith.constant 0 : i32
    %dma_wait3A_74 = tpu.memref_slice %arg4[%add3A_44, %dma_wait3A_73] : memref<4096x1024xf32, #tpu.memory_space<hbm>> -> memref<32x1024xf32, #tpu.memory_space<hbm>>
    %dma_wait3A_75 = arith.constant 0 : i32
    %dma_wait3A_76 = tpu.memref_slice %arg4[%add3A_44, %dma_wait3A_75] : memref<4096x1024xf32, #tpu.memory_space<hbm>> -> memref<32x1024xf32, #tpu.memory_space<hbm>>
    tpu.wait_dma2 semaphore(%arg11 : memref<!tpu.dma_semaphore, #tpu.memory_space<semaphore_mem>>) src(%arg7 : memref<32x1024xf32, #tpu.memory_space<vmem>>) dst(%dma_wait3A_76 : memref<32x1024xf32, #tpu.memory_space<hbm>>)
    %dma_start3A_77 = arith.constant 0 : i32
    %dma_start3A_78 = arith.constant 96 : i32
    %dma_start3A_79 = tpu.memref_slice %arg5[%dma_start3A_77, %dma_start3A_78] : memref<1x128xi32, #tpu.memory_space<vmem>> -> memref<1x32xi32, #tpu.memory_space<vmem>>
    %dma_start3A_80 = tpu.memref_squeeze %dma_start3A_79 : memref<1x32xi32, #tpu.memory_space<vmem>> -> memref<32xi32, #tpu.memory_space<vmem>>
    %dma_start3A_81 = arith.constant 0 : i32
    %dma_start3A_82 = arith.constant 0 : i32
    %dma_start3A_83 = tpu.memref_slice %arg2[%dma_start3A_81, %dma_start3A_82] : memref<6144x1024xf32, #tpu.memory_space<hbm>> -> memref<6144x1024xf32, #tpu.memory_space<hbm>>
    tpu.enqueue_indirect_dma source(%dma_start3A_83 : memref<6144x1024xf32, #tpu.memory_space<hbm>>) target(%arg7 : memref<32x1024xf32, #tpu.memory_space<vmem>>) offsets(%dma_start3A_80 : memref<32xi32, #tpu.memory_space<vmem>>) semaphore(%arg9 : memref<!tpu.dma_semaphore, #tpu.memory_space<semaphore_mem>>)
    %dma_wait3A_84 = arith.constant 0 : i32
    %dma_wait3A_85 = arith.constant 96 : i32
    %dma_wait3A_86 = tpu.memref_slice %arg5[%dma_wait3A_84, %dma_wait3A_85] : memref<1x128xi32, #tpu.memory_space<vmem>> -> memref<1x32xi32, #tpu.memory_space<vmem>>
    %dma_wait3A_87 = tpu.memref_squeeze %dma_wait3A_86 : memref<1x32xi32, #tpu.memory_space<vmem>> -> memref<32xi32, #tpu.memory_space<vmem>>
    %dma_wait3A_88 = arith.constant 0 : i32
    %dma_wait3A_89 = arith.constant 0 : i32
    %dma_wait3A_90 = tpu.memref_slice %arg2[%dma_wait3A_88, %dma_wait3A_89] : memref<6144x1024xf32, #tpu.memory_space<hbm>> -> memref<6144x1024xf32, #tpu.memory_space<hbm>>
    tpu.wait_indirect_dma semaphore(%arg9 : memref<!tpu.dma_semaphore, #tpu.memory_space<semaphore_mem>>) src(%dma_wait3A_90 : memref<6144x1024xf32, #tpu.memory_space<hbm>>) dst(%arg7 : memref<32x1024xf32, #tpu.memory_space<vmem>>)
    %add3A_91 = arith.constant 96 : i32
    %add3A_92 = arith.addi %mul3A_2, %add3A_91 : i32
    %dma_start3A_93 = arith.constant 0 : i32
    %dma_start3A_94 = tpu.memref_slice %arg4[%add3A_92, %dma_start3A_93] : memref<4096x1024xf32, #tpu.memory_space<hbm>> -> memref<32x1024xf32, #tpu.memory_space<hbm>>
    %dma_start3A_95 = arith.constant 0 : i32
    %dma_start3A_96 = tpu.memref_slice %arg4[%add3A_92, %dma_start3A_95] : memref<4096x1024xf32, #tpu.memory_space<hbm>> -> memref<32x1024xf32, #tpu.memory_space<hbm>>
    tpu.enqueue_dma source(%arg7 : memref<32x1024xf32, #tpu.memory_space<vmem>>) target(%dma_start3A_96 : memref<32x1024xf32, #tpu.memory_space<hbm>>) target_semaphore(%arg11 : memref<!tpu.dma_semaphore, #tpu.memory_space<semaphore_mem>>)
    %dma_wait3A_97 = arith.constant 0 : i32
    %dma_wait3A_98 = tpu.memref_slice %arg4[%add3A_68, %dma_wait3A_97] : memref<4096x1024xf32, #tpu.memory_space<hbm>> -> memref<32x1024xf32, #tpu.memory_space<hbm>>
    %dma_wait3A_99 = arith.constant 0 : i32
    %dma_wait3A_100 = tpu.memref_slice %arg4[%add3A_68, %dma_wait3A_99] : memref<4096x1024xf32, #tpu.memory_space<hbm>> -> memref<32x1024xf32, #tpu.memory_space<hbm>>
    tpu.wait_dma2 semaphore(%arg10 : memref<!tpu.dma_semaphore, #tpu.memory_space<semaphore_mem>>) src(%arg6 : memref<32x1024xf32, #tpu.memory_space<vmem>>) dst(%dma_wait3A_100 : memref<32x1024xf32, #tpu.memory_space<hbm>>)
    %dma_wait3A_101 = arith.constant 0 : i32
    %dma_wait3A_102 = tpu.memref_slice %arg4[%add3A_92, %dma_wait3A_101] : memref<4096x1024xf32, #tpu.memory_space<hbm>> -> memref<32x1024xf32, #tpu.memory_space<hbm>>
    %dma_wait3A_103 = arith.constant 0 : i32
    %dma_wait3A_104 = tpu.memref_slice %arg4[%add3A_92, %dma_wait3A_103] : memref<4096x1024xf32, #tpu.memory_space<hbm>> -> memref<32x1024xf32, #tpu.memory_space<hbm>>
    tpu.wait_dma2 semaphore(%arg11 : memref<!tpu.dma_semaphore, #tpu.memory_space<semaphore_mem>>) src(%arg7 : memref<32x1024xf32, #tpu.memory_space<vmem>>) dst(%dma_wait3A_104 : memref<32x1024xf32, #tpu.memory_space<hbm>>)
    return
  }
}

#map = affine_map<(d0, d1) -> (0, 0)>
module attributes {stable_mosaic.version = 14 : i64} {
  func.func @kernel(%arg0: i32, %arg1: i32, %arg2: memref<4096x1024xf32, #tpu.memory_space<hbm>>, %arg3: memref<1x4096xi32, #tpu.memory_space<hbm>>, %arg4: memref<6144x1024xf32, #tpu.memory_space<hbm>>, %arg5: memref<1x128xi32, #tpu.memory_space<vmem>>, %arg6: memref<32x1024xf32, #tpu.memory_space<vmem>>, %arg7: memref<32x1024xf32, #tpu.memory_space<vmem>>, %arg8: memref<!tpu.dma_semaphore, #tpu.memory_space<semaphore_mem>>, %arg9: memref<!tpu.dma_semaphore, #tpu.memory_space<semaphore_mem>>, %arg10: memref<!tpu.dma_semaphore, #tpu.memory_space<semaphore_mem>>, %arg11: memref<!tpu.dma_semaphore, #tpu.memory_space<semaphore_mem>>) attributes {dimension_semantics = [#tpu.dimension_semantics<core_parallel>, #tpu.dimension_semantics<subcore_parallel>], iteration_bounds = array<i64: 2, 16>, scalar_prefetch = 0 : i64, scratch_operands = 7 : i64, tpu.core_type = #tpu.core_type<sc_vector_subcore>, window_params = [{transform_indices = #map}, {transform_indices = #map}, {transform_indices = #map}]} {
    %mul3A = arith.constant 16 : i32
    %mul3A_0 = arith.muli %arg0, %mul3A : i32
    %add3A = arith.addi %mul3A_0, %arg1 : i32
    %mul3A_1 = arith.constant 128 : i32
    %mul3A_2 = arith.muli %add3A, %mul3A_1 : i32
    %dma_start3A = arith.constant 0 : i32
    %dma_start3A_3 = tpu.memref_slice %arg3[%dma_start3A, %mul3A_2] : memref<1x4096xi32, #tpu.memory_space<hbm>> -> memref<1x128xi32, #tpu.memory_space<hbm>>
    %dma_start3A_4 = arith.constant 0 : i32
    %dma_start3A_5 = tpu.memref_slice %arg3[%dma_start3A_4, %mul3A_2] : memref<1x4096xi32, #tpu.memory_space<hbm>> -> memref<1x128xi32, #tpu.memory_space<hbm>>
    tpu.enqueue_dma source(%dma_start3A_5 : memref<1x128xi32, #tpu.memory_space<hbm>>) target(%arg5 : memref<1x128xi32, #tpu.memory_space<vmem>>) target_semaphore(%arg8 : memref<!tpu.dma_semaphore, #tpu.memory_space<semaphore_mem>>)
    %dma_wait3A = arith.constant 0 : i32
    %dma_wait3A_6 = tpu.memref_slice %arg3[%dma_wait3A, %mul3A_2] : memref<1x4096xi32, #tpu.memory_space<hbm>> -> memref<1x128xi32, #tpu.memory_space<hbm>>
    %dma_wait3A_7 = arith.constant 0 : i32
    %dma_wait3A_8 = tpu.memref_slice %arg3[%dma_wait3A_7, %mul3A_2] : memref<1x4096xi32, #tpu.memory_space<hbm>> -> memref<1x128xi32, #tpu.memory_space<hbm>>
    tpu.wait_dma2 semaphore(%arg8 : memref<!tpu.dma_semaphore, #tpu.memory_space<semaphore_mem>>) src(%dma_wait3A_8 : memref<1x128xi32, #tpu.memory_space<hbm>>) dst(%arg5 : memref<1x128xi32, #tpu.memory_space<vmem>>)
    %add3A_9 = arith.constant 0 : i32
    %add3A_10 = arith.addi %mul3A_2, %add3A_9 : i32
    %dma_start3A_11 = arith.constant 0 : i32
    %dma_start3A_12 = tpu.memref_slice %arg2[%add3A_10, %dma_start3A_11] : memref<4096x1024xf32, #tpu.memory_space<hbm>> -> memref<32x1024xf32, #tpu.memory_space<hbm>>
    %dma_start3A_13 = arith.constant 0 : i32
    %dma_start3A_14 = tpu.memref_slice %arg2[%add3A_10, %dma_start3A_13] : memref<4096x1024xf32, #tpu.memory_space<hbm>> -> memref<32x1024xf32, #tpu.memory_space<hbm>>
    tpu.enqueue_dma source(%dma_start3A_14 : memref<32x1024xf32, #tpu.memory_space<hbm>>) target(%arg6 : memref<32x1024xf32, #tpu.memory_space<vmem>>) target_semaphore(%arg8 : memref<!tpu.dma_semaphore, #tpu.memory_space<semaphore_mem>>)
    %add3A_15 = arith.constant 32 : i32
    %add3A_16 = arith.addi %mul3A_2, %add3A_15 : i32
    %dma_start3A_17 = arith.constant 0 : i32
    %dma_start3A_18 = tpu.memref_slice %arg2[%add3A_16, %dma_start3A_17] : memref<4096x1024xf32, #tpu.memory_space<hbm>> -> memref<32x1024xf32, #tpu.memory_space<hbm>>
    %dma_start3A_19 = arith.constant 0 : i32
    %dma_start3A_20 = tpu.memref_slice %arg2[%add3A_16, %dma_start3A_19] : memref<4096x1024xf32, #tpu.memory_space<hbm>> -> memref<32x1024xf32, #tpu.memory_space<hbm>>
    tpu.enqueue_dma source(%dma_start3A_20 : memref<32x1024xf32, #tpu.memory_space<hbm>>) target(%arg7 : memref<32x1024xf32, #tpu.memory_space<vmem>>) target_semaphore(%arg9 : memref<!tpu.dma_semaphore, #tpu.memory_space<semaphore_mem>>)
    %dma_wait3A_21 = arith.constant 0 : i32
    %dma_wait3A_22 = tpu.memref_slice %arg2[%add3A_10, %dma_wait3A_21] : memref<4096x1024xf32, #tpu.memory_space<hbm>> -> memref<32x1024xf32, #tpu.memory_space<hbm>>
    %dma_wait3A_23 = arith.constant 0 : i32
    %dma_wait3A_24 = tpu.memref_slice %arg2[%add3A_10, %dma_wait3A_23] : memref<4096x1024xf32, #tpu.memory_space<hbm>> -> memref<32x1024xf32, #tpu.memory_space<hbm>>
    tpu.wait_dma2 semaphore(%arg8 : memref<!tpu.dma_semaphore, #tpu.memory_space<semaphore_mem>>) src(%dma_wait3A_24 : memref<32x1024xf32, #tpu.memory_space<hbm>>) dst(%arg6 : memref<32x1024xf32, #tpu.memory_space<vmem>>)
    %dma_start3A_25 = arith.constant 0 : i32
    %dma_start3A_26 = arith.constant 0 : i32
    %dma_start3A_27 = tpu.memref_slice %arg5[%dma_start3A_25, %dma_start3A_26] : memref<1x128xi32, #tpu.memory_space<vmem>> -> memref<1x32xi32, #tpu.memory_space<vmem>>
    %dma_start3A_28 = tpu.memref_squeeze %dma_start3A_27 : memref<1x32xi32, #tpu.memory_space<vmem>> -> memref<32xi32, #tpu.memory_space<vmem>>
    %dma_start3A_29 = arith.constant 0 : i32
    %dma_start3A_30 = arith.constant 0 : i32
    %dma_start3A_31 = tpu.memref_slice %arg4[%dma_start3A_29, %dma_start3A_30] : memref<6144x1024xf32, #tpu.memory_space<hbm>> -> memref<6144x1024xf32, #tpu.memory_space<hbm>>
    tpu.enqueue_indirect_dma source(%arg6 : memref<32x1024xf32, #tpu.memory_space<vmem>>) target(%dma_start3A_31 : memref<6144x1024xf32, #tpu.memory_space<hbm>>) offsets(%dma_start3A_28 : memref<32xi32, #tpu.memory_space<vmem>>) semaphore(%arg10 : memref<!tpu.dma_semaphore, #tpu.memory_space<semaphore_mem>>)
    %dma_wait3A_32 = arith.constant 0 : i32
    %dma_wait3A_33 = tpu.memref_slice %arg2[%add3A_16, %dma_wait3A_32] : memref<4096x1024xf32, #tpu.memory_space<hbm>> -> memref<32x1024xf32, #tpu.memory_space<hbm>>
    %dma_wait3A_34 = arith.constant 0 : i32
    %dma_wait3A_35 = tpu.memref_slice %arg2[%add3A_16, %dma_wait3A_34] : memref<4096x1024xf32, #tpu.memory_space<hbm>> -> memref<32x1024xf32, #tpu.memory_space<hbm>>
    tpu.wait_dma2 semaphore(%arg9 : memref<!tpu.dma_semaphore, #tpu.memory_space<semaphore_mem>>) src(%dma_wait3A_35 : memref<32x1024xf32, #tpu.memory_space<hbm>>) dst(%arg7 : memref<32x1024xf32, #tpu.memory_space<vmem>>)
    %dma_start3A_36 = arith.constant 0 : i32
    %dma_start3A_37 = arith.constant 32 : i32
    %dma_start3A_38 = tpu.memref_slice %arg5[%dma_start3A_36, %dma_start3A_37] : memref<1x128xi32, #tpu.memory_space<vmem>> -> memref<1x32xi32, #tpu.memory_space<vmem>>
    %dma_start3A_39 = tpu.memref_squeeze %dma_start3A_38 : memref<1x32xi32, #tpu.memory_space<vmem>> -> memref<32xi32, #tpu.memory_space<vmem>>
    %dma_start3A_40 = arith.constant 0 : i32
    %dma_start3A_41 = arith.constant 0 : i32
    %dma_start3A_42 = tpu.memref_slice %arg4[%dma_start3A_40, %dma_start3A_41] : memref<6144x1024xf32, #tpu.memory_space<hbm>> -> memref<6144x1024xf32, #tpu.memory_space<hbm>>
    tpu.enqueue_indirect_dma source(%arg7 : memref<32x1024xf32, #tpu.memory_space<vmem>>) target(%dma_start3A_42 : memref<6144x1024xf32, #tpu.memory_space<hbm>>) offsets(%dma_start3A_39 : memref<32xi32, #tpu.memory_space<vmem>>) semaphore(%arg11 : memref<!tpu.dma_semaphore, #tpu.memory_space<semaphore_mem>>)
    %dma_wait3A_43 = arith.constant 0 : i32
    %dma_wait3A_44 = arith.constant 0 : i32
    %dma_wait3A_45 = tpu.memref_slice %arg5[%dma_wait3A_43, %dma_wait3A_44] : memref<1x128xi32, #tpu.memory_space<vmem>> -> memref<1x32xi32, #tpu.memory_space<vmem>>
    %dma_wait3A_46 = tpu.memref_squeeze %dma_wait3A_45 : memref<1x32xi32, #tpu.memory_space<vmem>> -> memref<32xi32, #tpu.memory_space<vmem>>
    %dma_wait3A_47 = arith.constant 0 : i32
    %dma_wait3A_48 = arith.constant 0 : i32
    %dma_wait3A_49 = tpu.memref_slice %arg4[%dma_wait3A_47, %dma_wait3A_48] : memref<6144x1024xf32, #tpu.memory_space<hbm>> -> memref<6144x1024xf32, #tpu.memory_space<hbm>>
    tpu.wait_indirect_dma semaphore(%arg10 : memref<!tpu.dma_semaphore, #tpu.memory_space<semaphore_mem>>) src(%arg6 : memref<32x1024xf32, #tpu.memory_space<vmem>>) dst(%dma_wait3A_49 : memref<6144x1024xf32, #tpu.memory_space<hbm>>)
    %add3A_50 = arith.constant 64 : i32
    %add3A_51 = arith.addi %mul3A_2, %add3A_50 : i32
    %dma_start3A_52 = arith.constant 0 : i32
    %dma_start3A_53 = tpu.memref_slice %arg2[%add3A_51, %dma_start3A_52] : memref<4096x1024xf32, #tpu.memory_space<hbm>> -> memref<32x1024xf32, #tpu.memory_space<hbm>>
    %dma_start3A_54 = arith.constant 0 : i32
    %dma_start3A_55 = tpu.memref_slice %arg2[%add3A_51, %dma_start3A_54] : memref<4096x1024xf32, #tpu.memory_space<hbm>> -> memref<32x1024xf32, #tpu.memory_space<hbm>>
    tpu.enqueue_dma source(%dma_start3A_55 : memref<32x1024xf32, #tpu.memory_space<hbm>>) target(%arg6 : memref<32x1024xf32, #tpu.memory_space<vmem>>) target_semaphore(%arg8 : memref<!tpu.dma_semaphore, #tpu.memory_space<semaphore_mem>>)
    %dma_wait3A_56 = arith.constant 0 : i32
    %dma_wait3A_57 = tpu.memref_slice %arg2[%add3A_51, %dma_wait3A_56] : memref<4096x1024xf32, #tpu.memory_space<hbm>> -> memref<32x1024xf32, #tpu.memory_space<hbm>>
    %dma_wait3A_58 = arith.constant 0 : i32
    %dma_wait3A_59 = tpu.memref_slice %arg2[%add3A_51, %dma_wait3A_58] : memref<4096x1024xf32, #tpu.memory_space<hbm>> -> memref<32x1024xf32, #tpu.memory_space<hbm>>
    tpu.wait_dma2 semaphore(%arg8 : memref<!tpu.dma_semaphore, #tpu.memory_space<semaphore_mem>>) src(%dma_wait3A_59 : memref<32x1024xf32, #tpu.memory_space<hbm>>) dst(%arg6 : memref<32x1024xf32, #tpu.memory_space<vmem>>)
    %dma_start3A_60 = arith.constant 0 : i32
    %dma_start3A_61 = arith.constant 64 : i32
    %dma_start3A_62 = tpu.memref_slice %arg5[%dma_start3A_60, %dma_start3A_61] : memref<1x128xi32, #tpu.memory_space<vmem>> -> memref<1x32xi32, #tpu.memory_space<vmem>>
    %dma_start3A_63 = tpu.memref_squeeze %dma_start3A_62 : memref<1x32xi32, #tpu.memory_space<vmem>> -> memref<32xi32, #tpu.memory_space<vmem>>
    %dma_start3A_64 = arith.constant 0 : i32
    %dma_start3A_65 = arith.constant 0 : i32
    %dma_start3A_66 = tpu.memref_slice %arg4[%dma_start3A_64, %dma_start3A_65] : memref<6144x1024xf32, #tpu.memory_space<hbm>> -> memref<6144x1024xf32, #tpu.memory_space<hbm>>
    tpu.enqueue_indirect_dma source(%arg6 : memref<32x1024xf32, #tpu.memory_space<vmem>>) target(%dma_start3A_66 : memref<6144x1024xf32, #tpu.memory_space<hbm>>) offsets(%dma_start3A_63 : memref<32xi32, #tpu.memory_space<vmem>>) semaphore(%arg10 : memref<!tpu.dma_semaphore, #tpu.memory_space<semaphore_mem>>)
    %dma_wait3A_67 = arith.constant 0 : i32
    %dma_wait3A_68 = arith.constant 32 : i32
    %dma_wait3A_69 = tpu.memref_slice %arg5[%dma_wait3A_67, %dma_wait3A_68] : memref<1x128xi32, #tpu.memory_space<vmem>> -> memref<1x32xi32, #tpu.memory_space<vmem>>
    %dma_wait3A_70 = tpu.memref_squeeze %dma_wait3A_69 : memref<1x32xi32, #tpu.memory_space<vmem>> -> memref<32xi32, #tpu.memory_space<vmem>>
    %dma_wait3A_71 = arith.constant 0 : i32
    %dma_wait3A_72 = arith.constant 0 : i32
    %dma_wait3A_73 = tpu.memref_slice %arg4[%dma_wait3A_71, %dma_wait3A_72] : memref<6144x1024xf32, #tpu.memory_space<hbm>> -> memref<6144x1024xf32, #tpu.memory_space<hbm>>
    tpu.wait_indirect_dma semaphore(%arg11 : memref<!tpu.dma_semaphore, #tpu.memory_space<semaphore_mem>>) src(%arg7 : memref<32x1024xf32, #tpu.memory_space<vmem>>) dst(%dma_wait3A_73 : memref<6144x1024xf32, #tpu.memory_space<hbm>>)
    %add3A_74 = arith.constant 96 : i32
    %add3A_75 = arith.addi %mul3A_2, %add3A_74 : i32
    %dma_start3A_76 = arith.constant 0 : i32
    %dma_start3A_77 = tpu.memref_slice %arg2[%add3A_75, %dma_start3A_76] : memref<4096x1024xf32, #tpu.memory_space<hbm>> -> memref<32x1024xf32, #tpu.memory_space<hbm>>
    %dma_start3A_78 = arith.constant 0 : i32
    %dma_start3A_79 = tpu.memref_slice %arg2[%add3A_75, %dma_start3A_78] : memref<4096x1024xf32, #tpu.memory_space<hbm>> -> memref<32x1024xf32, #tpu.memory_space<hbm>>
    tpu.enqueue_dma source(%dma_start3A_79 : memref<32x1024xf32, #tpu.memory_space<hbm>>) target(%arg7 : memref<32x1024xf32, #tpu.memory_space<vmem>>) target_semaphore(%arg9 : memref<!tpu.dma_semaphore, #tpu.memory_space<semaphore_mem>>)
    %dma_wait3A_80 = arith.constant 0 : i32
    %dma_wait3A_81 = tpu.memref_slice %arg2[%add3A_75, %dma_wait3A_80] : memref<4096x1024xf32, #tpu.memory_space<hbm>> -> memref<32x1024xf32, #tpu.memory_space<hbm>>
    %dma_wait3A_82 = arith.constant 0 : i32
    %dma_wait3A_83 = tpu.memref_slice %arg2[%add3A_75, %dma_wait3A_82] : memref<4096x1024xf32, #tpu.memory_space<hbm>> -> memref<32x1024xf32, #tpu.memory_space<hbm>>
    tpu.wait_dma2 semaphore(%arg9 : memref<!tpu.dma_semaphore, #tpu.memory_space<semaphore_mem>>) src(%dma_wait3A_83 : memref<32x1024xf32, #tpu.memory_space<hbm>>) dst(%arg7 : memref<32x1024xf32, #tpu.memory_space<vmem>>)
    %dma_start3A_84 = arith.constant 0 : i32
    %dma_start3A_85 = arith.constant 96 : i32
    %dma_start3A_86 = tpu.memref_slice %arg5[%dma_start3A_84, %dma_start3A_85] : memref<1x128xi32, #tpu.memory_space<vmem>> -> memref<1x32xi32, #tpu.memory_space<vmem>>
    %dma_start3A_87 = tpu.memref_squeeze %dma_start3A_86 : memref<1x32xi32, #tpu.memory_space<vmem>> -> memref<32xi32, #tpu.memory_space<vmem>>
    %dma_start3A_88 = arith.constant 0 : i32
    %dma_start3A_89 = arith.constant 0 : i32
    %dma_start3A_90 = tpu.memref_slice %arg4[%dma_start3A_88, %dma_start3A_89] : memref<6144x1024xf32, #tpu.memory_space<hbm>> -> memref<6144x1024xf32, #tpu.memory_space<hbm>>
    tpu.enqueue_indirect_dma source(%arg7 : memref<32x1024xf32, #tpu.memory_space<vmem>>) target(%dma_start3A_90 : memref<6144x1024xf32, #tpu.memory_space<hbm>>) offsets(%dma_start3A_87 : memref<32xi32, #tpu.memory_space<vmem>>) semaphore(%arg11 : memref<!tpu.dma_semaphore, #tpu.memory_space<semaphore_mem>>)
    %dma_wait3A_91 = arith.constant 0 : i32
    %dma_wait3A_92 = arith.constant 64 : i32
    %dma_wait3A_93 = tpu.memref_slice %arg5[%dma_wait3A_91, %dma_wait3A_92] : memref<1x128xi32, #tpu.memory_space<vmem>> -> memref<1x32xi32, #tpu.memory_space<vmem>>
    %dma_wait3A_94 = tpu.memref_squeeze %dma_wait3A_93 : memref<1x32xi32, #tpu.memory_space<vmem>> -> memref<32xi32, #tpu.memory_space<vmem>>
    %dma_wait3A_95 = arith.constant 0 : i32
    %dma_wait3A_96 = arith.constant 0 : i32
    %dma_wait3A_97 = tpu.memref_slice %arg4[%dma_wait3A_95, %dma_wait3A_96] : memref<6144x1024xf32, #tpu.memory_space<hbm>> -> memref<6144x1024xf32, #tpu.memory_space<hbm>>
    tpu.wait_indirect_dma semaphore(%arg10 : memref<!tpu.dma_semaphore, #tpu.memory_space<semaphore_mem>>) src(%arg6 : memref<32x1024xf32, #tpu.memory_space<vmem>>) dst(%dma_wait3A_97 : memref<6144x1024xf32, #tpu.memory_space<hbm>>)
    %dma_wait3A_98 = arith.constant 0 : i32
    %dma_wait3A_99 = arith.constant 96 : i32
    %dma_wait3A_100 = tpu.memref_slice %arg5[%dma_wait3A_98, %dma_wait3A_99] : memref<1x128xi32, #tpu.memory_space<vmem>> -> memref<1x32xi32, #tpu.memory_space<vmem>>
    %dma_wait3A_101 = tpu.memref_squeeze %dma_wait3A_100 : memref<1x32xi32, #tpu.memory_space<vmem>> -> memref<32xi32, #tpu.memory_space<vmem>>
    %dma_wait3A_102 = arith.constant 0 : i32
    %dma_wait3A_103 = arith.constant 0 : i32
    %dma_wait3A_104 = tpu.memref_slice %arg4[%dma_wait3A_102, %dma_wait3A_103] : memref<6144x1024xf32, #tpu.memory_space<hbm>> -> memref<6144x1024xf32, #tpu.memory_space<hbm>>
    tpu.wait_indirect_dma semaphore(%arg11 : memref<!tpu.dma_semaphore, #tpu.memory_space<semaphore_mem>>) src(%arg7 : memref<32x1024xf32, #tpu.memory_space<vmem>>) dst(%dma_wait3A_104 : memref<6144x1024xf32, #tpu.memory_space<hbm>>)
    return
  }
}

module attributes {stable_mosaic.version = 14 : i64} {
  func.func @_router_body(%arg0: i32, %arg1: memref<512x1024xf32, #tpu.memory_space<vmem>>, %arg2: memref<1024x1024xbf16, #tpu.memory_space<vmem>>, %arg3: memref<1x1024xf32, #tpu.memory_space<vmem>>, %arg4: memref<1024x8xbf16, #tpu.memory_space<vmem>>, %arg5: memref<1x8xf32, #tpu.memory_space<vmem>>, %arg6: memref<512x8xf32, #tpu.memory_space<vmem>>, %arg7: memref<512x1xi32, #tpu.memory_space<vmem>>) attributes {dimension_semantics = [#tpu.dimension_semantics<arbitrary>], iteration_bounds = array<i64: 8>, scalar_prefetch = 0 : i64, scratch_operands = 0 : i64, tpu.core_type = #tpu.core_type<tc>, window_params = [{transform_indices = @transform_0, window_bounds = array<i64: 512, 1024>}, {pipeline_mode = #tpu.pipeline_mode<synchronous>, transform_indices = @transform_1, window_bounds = array<i64: 1024, 1024>}, {pipeline_mode = #tpu.pipeline_mode<synchronous>, transform_indices = @transform_2, window_bounds = array<i64: 1, 1024>}, {pipeline_mode = #tpu.pipeline_mode<synchronous>, transform_indices = @transform_3, window_bounds = array<i64: 1024, 8>}, {pipeline_mode = #tpu.pipeline_mode<synchronous>, transform_indices = @transform_4, window_bounds = array<i64: 1, 8>}, {transform_indices = @transform_5, window_bounds = array<i64: 512, 8>}, {transform_indices = @transform_6, window_bounds = array<i64: 512, 1>}]} {
    %get3A = arith.constant 0 : index
    %get3A_0 = arith.constant 0 : index
    %get3A_1 = vector.load %arg1[%get3A, %get3A_0] : memref<512x1024xf32, #tpu.memory_space<vmem>>, vector<512x1024xf32>
    %get3A_2 = arith.constant 0 : index
    %get3A_3 = arith.constant 0 : index
    %get3A_4 = vector.load %arg2[%get3A_2, %get3A_3] : memref<1024x1024xbf16, #tpu.memory_space<vmem>>, vector<1024x1024xbf16>
    %convert_element_type3A = arith.truncf %get3A_1 : vector<512x1024xf32> to vector<512x1024xbf16>
    %dot_general3A = arith.constant dense<0.000000e+00> : vector<512x1024xf32>
    %dot_general3A_5 = tpu.matmul %convert_element_type3A, %get3A_4, %dot_general3A {dimension_numbers = #tpu.dot_dimension_numbers<[1], [0], [0], [1], [0, 0, 1, 1], [], []>, transpose_lhs_hint = false} : vector<512x1024xbf16>, vector<1024x1024xbf16>, vector<512x1024xf32> -> vector<512x1024xf32>
    %get3A_6 = arith.constant 0 : index
    %get3A_7 = arith.constant 0 : index
    %get3A_8 = vector.load %arg3[%get3A_6, %get3A_7] : memref<1x1024xf32, #tpu.memory_space<vmem>>, vector<1x1024xf32>
    %add3A = vector.broadcast %get3A_8 : vector<1x1024xf32> to vector<512x1024xf32>
    %add3A_9 = arith.addf %dot_general3A_5, %add3A : vector<512x1024xf32>
    %mul3A = arith.constant 5.000000e-01 : f32
    %mul3A_10 = vector.broadcast %mul3A : f32 to vector<512x1024xf32>
    %mul3A_11 = arith.mulf %mul3A_10, %add3A_9 : vector<512x1024xf32>
    %mul3A_12 = arith.constant 0.707106769 : f32
    %mul3A_13 = vector.broadcast %mul3A_12 : f32 to vector<512x1024xf32>
    %mul3A_14 = arith.mulf %add3A_9, %mul3A_13 : vector<512x1024xf32>
    %erf3A = math.erf %mul3A_14 : vector<512x1024xf32>
    %add3A_15 = arith.constant 1.000000e+00 : f32
    %add3A_16 = vector.broadcast %add3A_15 : f32 to vector<512x1024xf32>
    %add3A_17 = arith.addf %add3A_16, %erf3A : vector<512x1024xf32>
    %mul3A_18 = arith.mulf %mul3A_11, %add3A_17 : vector<512x1024xf32>
    %get3A_19 = arith.constant 0 : index
    %get3A_20 = arith.constant 0 : index
    %get3A_21 = vector.load %arg4[%get3A_19, %get3A_20] : memref<1024x8xbf16, #tpu.memory_space<vmem>>, vector<1024x8xbf16>
    %convert_element_type3A_22 = arith.truncf %mul3A_18 : vector<512x1024xf32> to vector<512x1024xbf16>
    %dot_general3A_23 = arith.constant dense<0.000000e+00> : vector<512x8xf32>
    %dot_general3A_24 = tpu.matmul %convert_element_type3A_22, %get3A_21, %dot_general3A_23 {dimension_numbers = #tpu.dot_dimension_numbers<[1], [0], [0], [1], [0, 0, 1, 1], [], []>, transpose_lhs_hint = false} : vector<512x1024xbf16>, vector<1024x8xbf16>, vector<512x8xf32> -> vector<512x8xf32>
    %get3A_25 = arith.constant 0 : index
    %get3A_26 = arith.constant 0 : index
    %get3A_27 = vector.load %arg5[%get3A_25, %get3A_26] : memref<1x8xf32, #tpu.memory_space<vmem>>, vector<1x8xf32>
    %add3A_28 = vector.broadcast %get3A_27 : vector<1x8xf32> to vector<512x8xf32>
    %add3A_29 = arith.addf %dot_general3A_24, %add3A_28 : vector<512x8xf32>
    %div3A = arith.constant 5.000000e-01 : f32
    %div3A_30 = vector.broadcast %div3A : f32 to vector<512x8xf32>
    %div3A_31 = arith.divf %add3A_29, %div3A_30 : vector<512x8xf32>
    %swap3A = arith.constant 0 : index
    %swap3A_32 = arith.constant 0 : index
    %swap3A_33 = vector.load %arg6[%swap3A, %swap3A_32] : memref<512x8xf32, #tpu.memory_space<vmem>>, vector<512x8xf32>
    tpu.vector_store %arg6[%swap3A, %swap3A_32], %div3A_31 {strides = array<i32>} : memref<512x8xf32, #tpu.memory_space<vmem>>, vector<512x8xf32>,
    %reduce_max3A = arith.constant dense<0xFF800000> : vector<512xf32>
    %reduce_max3A_34 = vector.multi_reduction <maximumf>, %div3A_31, %reduce_max3A [1] : vector<512x8xf32> to vector<512xf32>
    %broadcast_in_dim3A = vector.shape_cast %reduce_max3A_34 : vector<512xf32> to vector<512x1xf32>
    %iota3A = tpu.iota {dimensions = array<i32: 1>} : vector<512x8xi32>
    %eq3A = vector.broadcast %broadcast_in_dim3A : vector<512x1xf32> to vector<512x8xf32>
    %eq3A_35 = arith.cmpf oeq, %div3A_31, %eq3A : vector<512x8xf32>
    %jit3A = arith.constant 8 : i32
    %broadcast_in_dim3A_36 = vector.broadcast %jit3A : i32 to vector<512x8xi32>
    %select_n3A = arith.select %eq3A_35, %iota3A, %broadcast_in_dim3A_36 : vector<512x8xi1>, vector<512x8xi32>
    %reduce_min3A = arith.constant dense<2147483647> : vector<512xi32>
    %reduce_min3A_37 = vector.multi_reduction <minsi>, %select_n3A, %reduce_min3A [1] : vector<512x8xi32> to vector<512xi32>
    %broadcast_in_dim3A_38 = vector.shape_cast %reduce_min3A_37 : vector<512xi32> to vector<512x1xi32>
    %swap3A_39 = arith.constant 0 : index
    %swap3A_40 = arith.constant 0 : index
    %swap3A_41 = vector.load %arg7[%swap3A_39, %swap3A_40] : memref<512x1xi32, #tpu.memory_space<vmem>>, vector<512x1xi32>
    tpu.vector_store %arg7[%swap3A_39, %swap3A_40], %broadcast_in_dim3A_38 {strides = array<i32>} : memref<512x1xi32, #tpu.memory_space<vmem>>, vector<512x1xi32>,
    return
  }
  func.func @transform_0(%arg0: i32) -> (i32, i32) {
    %c0_i32 = arith.constant 0 : i32
    %c0_i32_0 = arith.constant 0 : i32
    return %arg0, %c0_i32 : i32, i32
  }
  func.func @transform_1(%arg0: i32) -> (i32, i32) {
    %c0_i32 = arith.constant 0 : i32
    %c0_i32_0 = arith.constant 0 : i32
    %c0_i32_1 = arith.constant 0 : i32
    return %c0_i32, %c0_i32_0 : i32, i32
  }
  func.func @transform_2(%arg0: i32) -> (i32, i32) {
    %c0_i32 = arith.constant 0 : i32
    %c0_i32_0 = arith.constant 0 : i32
    %c0_i32_1 = arith.constant 0 : i32
    return %c0_i32, %c0_i32_0 : i32, i32
  }
  func.func @transform_3(%arg0: i32) -> (i32, i32) {
    %c0_i32 = arith.constant 0 : i32
    %c0_i32_0 = arith.constant 0 : i32
    %c0_i32_1 = arith.constant 0 : i32
    return %c0_i32, %c0_i32_0 : i32, i32
  }
  func.func @transform_4(%arg0: i32) -> (i32, i32) {
    %c0_i32 = arith.constant 0 : i32
    %c0_i32_0 = arith.constant 0 : i32
    %c0_i32_1 = arith.constant 0 : i32
    return %c0_i32, %c0_i32_0 : i32, i32
  }
  func.func @transform_5(%arg0: i32) -> (i32, i32) {
    %c0_i32 = arith.constant 0 : i32
    %c0_i32_0 = arith.constant 0 : i32
    return %arg0, %c0_i32 : i32, i32
  }
  func.func @transform_6(%arg0: i32) -> (i32, i32) {
    %c0_i32 = arith.constant 0 : i32
    %c0_i32_0 = arith.constant 0 : i32
    return %arg0, %c0_i32 : i32, i32
  }
}

module attributes {stable_mosaic.version = 14 : i64} {
  func.func @_dispatch_body(%arg0: memref<4096x1xi32, #tpu.memory_space<vmem>>, %arg1: memref<4096x1xi32, #tpu.memory_space<vmem>>, %arg2: memref<24x1xi32, #tpu.memory_space<vmem>>, %arg3: memref<24x1xi32, #tpu.memory_space<vmem>>) attributes {dimension_semantics = [], scalar_prefetch = 0 : i64, scratch_operands = 0 : i64, tpu.core_type = #tpu.core_type<tc>} {
    %iota3A = tpu.iota {dimensions = array<i32: 1>} : vector<1x8xi32>
    %get3A = arith.constant 0 : index
    %get3A_0 = arith.constant 0 : index
    %get3A_1 = vector.load %arg0[%get3A, %get3A_0] : memref<4096x1xi32, #tpu.memory_space<vmem>>, vector<4096x1xi32>
    %eq3A = vector.broadcast %get3A_1 : vector<4096x1xi32> to vector<4096x8xi32>
    %eq3A_2 = vector.broadcast %iota3A : vector<1x8xi32> to vector<4096x8xi32>
    %eq3A_3 = arith.cmpi eq, %eq3A, %eq3A_2 : vector<4096x8xi32>
    %convert_element_type3A = arith.extui %eq3A_3 : vector<4096x8xi1> to vector<4096x8xi32>
    %convert_element_type3A_4 = arith.sitofp %convert_element_type3A : vector<4096x8xi32> to vector<4096x8xf32>
    %reduce_sum3A = arith.constant dense<0.000000e+00> : vector<8xf32>
    %reduce_sum3A_5 = vector.multi_reduction <add>, %convert_element_type3A_4, %reduce_sum3A [0] : vector<4096x8xf32> to vector<8xf32>
    %broadcast_in_dim3A = vector.shape_cast %reduce_sum3A_5 : vector<8xf32> to vector<1x8xf32>
    %convert_element_type3A_6 = arith.fptosi %broadcast_in_dim3A : vector<1x8xf32> to vector<1x8xi32>
    %add3A = arith.constant 255 : i32
    %add3A_7 = vector.broadcast %add3A : i32 to vector<1x8xi32>
    %add3A_8 = arith.addi %convert_element_type3A_6, %add3A_7 : vector<1x8xi32>
    %and3A = arith.constant -256 : i32
    %and3A_9 = vector.broadcast %and3A : i32 to vector<1x8xi32>
    %and3A_10 = arith.andi %add3A_8, %and3A_9 : vector<1x8xi32>
    %broadcast_in_dim3A_11 = arith.constant 0 : i32
    %broadcast_in_dim3A_12 = vector.broadcast %broadcast_in_dim3A_11 : i32 to vector<1x8xi32>
    %slice3A = vector.extract_strided_slice %and3A_10 {offsets = [0, 7], sizes = [1, 1], strides = [1, 1]} : vector<1x8xi32> to vector<1x1xi32>
    %slice3A_13 = vector.extract_strided_slice %and3A_10 {offsets = [0, 0], sizes = [1, 7], strides = [1, 1]} : vector<1x8xi32> to vector<1x7xi32>
    %concatenate3A = tpu.concatenate %slice3A, %slice3A_13 in 1 : vector<1x1xi32>, vector<1x7xi32> -> vector<1x8xi32>
    %ge3A = arith.constant 1 : i32
    %ge3A_14 = vector.broadcast %ge3A : i32 to vector<1x8xi32>
    %ge3A_15 = arith.cmpi sge, %iota3A, %ge3A_14 : vector<1x8xi32>
    %convert_element_type3A_16 = arith.extui %ge3A_15 : vector<1x8xi1> to vector<1x8xi32>
    %mul3A = arith.muli %concatenate3A, %convert_element_type3A_16 : vector<1x8xi32>
    %add3A_17 = arith.addi %broadcast_in_dim3A_12, %mul3A : vector<1x8xi32>
    %slice3A_18 = vector.extract_strided_slice %and3A_10 {offsets = [0, 6], sizes = [1, 2], strides = [1, 1]} : vector<1x8xi32> to vector<1x2xi32>
    %slice3A_19 = vector.extract_strided_slice %and3A_10 {offsets = [0, 0], sizes = [1, 6], strides = [1, 1]} : vector<1x8xi32> to vector<1x6xi32>
    %concatenate3A_20 = tpu.concatenate %slice3A_18, %slice3A_19 in 1 : vector<1x2xi32>, vector<1x6xi32> -> vector<1x8xi32>
    %ge3A_21 = arith.constant 2 : i32
    %ge3A_22 = vector.broadcast %ge3A_21 : i32 to vector<1x8xi32>
    %ge3A_23 = arith.cmpi sge, %iota3A, %ge3A_22 : vector<1x8xi32>
    %convert_element_type3A_24 = arith.extui %ge3A_23 : vector<1x8xi1> to vector<1x8xi32>
    %mul3A_25 = arith.muli %concatenate3A_20, %convert_element_type3A_24 : vector<1x8xi32>
    %add3A_26 = arith.addi %add3A_17, %mul3A_25 : vector<1x8xi32>
    %slice3A_27 = vector.extract_strided_slice %and3A_10 {offsets = [0, 5], sizes = [1, 3], strides = [1, 1]} : vector<1x8xi32> to vector<1x3xi32>
    %slice3A_28 = vector.extract_strided_slice %and3A_10 {offsets = [0, 0], sizes = [1, 5], strides = [1, 1]} : vector<1x8xi32> to vector<1x5xi32>
    %concatenate3A_29 = tpu.concatenate %slice3A_27, %slice3A_28 in 1 : vector<1x3xi32>, vector<1x5xi32> -> vector<1x8xi32>
    %ge3A_30 = arith.constant 3 : i32
    %ge3A_31 = vector.broadcast %ge3A_30 : i32 to vector<1x8xi32>
    %ge3A_32 = arith.cmpi sge, %iota3A, %ge3A_31 : vector<1x8xi32>
    %convert_element_type3A_33 = arith.extui %ge3A_32 : vector<1x8xi1> to vector<1x8xi32>
    %mul3A_34 = arith.muli %concatenate3A_29, %convert_element_type3A_33 : vector<1x8xi32>
    %add3A_35 = arith.addi %add3A_26, %mul3A_34 : vector<1x8xi32>
    %slice3A_36 = vector.extract_strided_slice %and3A_10 {offsets = [0, 4], sizes = [1, 4], strides = [1, 1]} : vector<1x8xi32> to vector<1x4xi32>
    %slice3A_37 = vector.extract_strided_slice %and3A_10 {offsets = [0, 0], sizes = [1, 4], strides = [1, 1]} : vector<1x8xi32> to vector<1x4xi32>
    %concatenate3A_38 = tpu.concatenate %slice3A_36, %slice3A_37 in 1 : vector<1x4xi32>, vector<1x4xi32> -> vector<1x8xi32>
    %ge3A_39 = arith.constant 4 : i32
    %ge3A_40 = vector.broadcast %ge3A_39 : i32 to vector<1x8xi32>
    %ge3A_41 = arith.cmpi sge, %iota3A, %ge3A_40 : vector<1x8xi32>
    %convert_element_type3A_42 = arith.extui %ge3A_41 : vector<1x8xi1> to vector<1x8xi32>
    %mul3A_43 = arith.muli %concatenate3A_38, %convert_element_type3A_42 : vector<1x8xi32>
    %add3A_44 = arith.addi %add3A_35, %mul3A_43 : vector<1x8xi32>
    %slice3A_45 = vector.extract_strided_slice %and3A_10 {offsets = [0, 3], sizes = [1, 5], strides = [1, 1]} : vector<1x8xi32> to vector<1x5xi32>
    %slice3A_46 = vector.extract_strided_slice %and3A_10 {offsets = [0, 0], sizes = [1, 3], strides = [1, 1]} : vector<1x8xi32> to vector<1x3xi32>
    %concatenate3A_47 = tpu.concatenate %slice3A_45, %slice3A_46 in 1 : vector<1x5xi32>, vector<1x3xi32> -> vector<1x8xi32>
    %ge3A_48 = arith.constant 5 : i32
    %ge3A_49 = vector.broadcast %ge3A_48 : i32 to vector<1x8xi32>
    %ge3A_50 = arith.cmpi sge, %iota3A, %ge3A_49 : vector<1x8xi32>
    %convert_element_type3A_51 = arith.extui %ge3A_50 : vector<1x8xi1> to vector<1x8xi32>
    %mul3A_52 = arith.muli %concatenate3A_47, %convert_element_type3A_51 : vector<1x8xi32>
    %add3A_53 = arith.addi %add3A_44, %mul3A_52 : vector<1x8xi32>
    %slice3A_54 = vector.extract_strided_slice %and3A_10 {offsets = [0, 2], sizes = [1, 6], strides = [1, 1]} : vector<1x8xi32> to vector<1x6xi32>
    %slice3A_55 = vector.extract_strided_slice %and3A_10 {offsets = [0, 0], sizes = [1, 2], strides = [1, 1]} : vector<1x8xi32> to vector<1x2xi32>
    %concatenate3A_56 = tpu.concatenate %slice3A_54, %slice3A_55 in 1 : vector<1x6xi32>, vector<1x2xi32> -> vector<1x8xi32>
    %ge3A_57 = arith.constant 6 : i32
    %ge3A_58 = vector.broadcast %ge3A_57 : i32 to vector<1x8xi32>
    %ge3A_59 = arith.cmpi sge, %iota3A, %ge3A_58 : vector<1x8xi32>
    %convert_element_type3A_60 = arith.extui %ge3A_59 : vector<1x8xi1> to vector<1x8xi32>
    %mul3A_61 = arith.muli %concatenate3A_56, %convert_element_type3A_60 : vector<1x8xi32>
    %add3A_62 = arith.addi %add3A_53, %mul3A_61 : vector<1x8xi32>
    %slice3A_63 = vector.extract_strided_slice %and3A_10 {offsets = [0, 1], sizes = [1, 7], strides = [1, 1]} : vector<1x8xi32> to vector<1x7xi32>
    %slice3A_64 = vector.extract_strided_slice %and3A_10 {offsets = [0, 0], sizes = [1, 1], strides = [1, 1]} : vector<1x8xi32> to vector<1x1xi32>
    %concatenate3A_65 = tpu.concatenate %slice3A_63, %slice3A_64 in 1 : vector<1x7xi32>, vector<1x1xi32> -> vector<1x8xi32>
    %ge3A_66 = arith.constant 7 : i32
    %ge3A_67 = vector.broadcast %ge3A_66 : i32 to vector<1x8xi32>
    %ge3A_68 = arith.cmpi sge, %iota3A, %ge3A_67 : vector<1x8xi32>
    %convert_element_type3A_69 = arith.extui %ge3A_68 : vector<1x8xi1> to vector<1x8xi32>
    %mul3A_70 = arith.muli %concatenate3A_65, %convert_element_type3A_69 : vector<1x8xi32>
    %add3A_71 = arith.addi %add3A_62, %mul3A_70 : vector<1x8xi32>
    %reduce_sum3A_72 = arith.constant dense<0> : vector<1xi32>
    %reduce_sum3A_73 = vector.multi_reduction <add>, %and3A_10, %reduce_sum3A_72 [1] : vector<1x8xi32> to vector<1xi32>
    %broadcast_in_dim3A_74 = vector.shape_cast %reduce_sum3A_73 : vector<1xi32> to vector<1x1xi32>
    %iota3A_75 = tpu.iota {dimensions = array<i32: 0>} : vector<512x512xi32>
    %iota3A_76 = tpu.iota {dimensions = array<i32: 1>} : vector<512x512xi32>
    %gt3A = arith.cmpi sgt, %iota3A_75, %iota3A_76 : vector<512x512xi32>
    %convert_element_type3A_77 = arith.extui %gt3A : vector<512x512xi1> to vector<512x512xi32>
    %convert_element_type3A_78 = arith.sitofp %convert_element_type3A_77 : vector<512x512xi32> to vector<512x512xf32>
    %convert_element_type3A_79 = arith.sitofp %add3A_71 : vector<1x8xi32> to vector<1x8xf32>
    %slice3A_80 = vector.extract_strided_slice %convert_element_type3A_4 {offsets = [0, 0], sizes = [512, 8], strides = [1, 1]} : vector<4096x8xf32> to vector<512x8xf32>
    %convert_element_type3A_81 = arith.truncf %slice3A_80 : vector<512x8xf32> to vector<512x8xbf16>
    %convert_element_type3A_82 = arith.truncf %convert_element_type3A_78 : vector<512x512xf32> to vector<512x512xbf16>
    %dot_general3A = arith.constant dense<0.000000e+00> : vector<512x8xf32>
    %dot_general3A_83 = tpu.matmul %convert_element_type3A_82, %convert_element_type3A_81, %dot_general3A {dimension_numbers = #tpu.dot_dimension_numbers<[1], [0], [0], [1], [0, 0, 1, 1], [], []>, transpose_lhs_hint = false} : vector<512x512xbf16>, vector<512x8xbf16>, vector<512x8xf32> -> vector<512x8xf32>
    %add3A_84 = vector.broadcast %convert_element_type3A_79 : vector<1x8xf32> to vector<512x8xf32>
    %add3A_85 = arith.addf %dot_general3A_83, %add3A_84 : vector<512x8xf32>
    %mul3A_86 = arith.mulf %add3A_85, %slice3A_80 : vector<512x8xf32>
    %reduce_sum3A_87 = arith.constant dense<0.000000e+00> : vector<512xf32>
    %reduce_sum3A_88 = vector.multi_reduction <add>, %mul3A_86, %reduce_sum3A_87 [1] : vector<512x8xf32> to vector<512xf32>
    %broadcast_in_dim3A_89 = vector.shape_cast %reduce_sum3A_88 : vector<512xf32> to vector<512x1xf32>
    %convert_element_type3A_90 = arith.fptosi %broadcast_in_dim3A_89 : vector<512x1xf32> to vector<512x1xi32>
    %swap3A = arith.constant 0 : index
    %swap3A_91 = arith.constant 0 : index
    %swap3A_92 = vector.load %arg1[%swap3A, %swap3A_91] : memref<4096x1xi32, #tpu.memory_space<vmem>>, vector<512x1xi32>
    tpu.vector_store %arg1[%swap3A, %swap3A_91], %convert_element_type3A_90 {strides = array<i32>} : memref<4096x1xi32, #tpu.memory_space<vmem>>, vector<512x1xi32>,
    %reduce_sum3A_93 = arith.constant dense<0.000000e+00> : vector<8xf32>
    %reduce_sum3A_94 = vector.multi_reduction <add>, %slice3A_80, %reduce_sum3A_93 [0] : vector<512x8xf32> to vector<8xf32>
    %broadcast_in_dim3A_95 = vector.shape_cast %reduce_sum3A_94 : vector<8xf32> to vector<1x8xf32>
    %add3A_96 = arith.addf %convert_element_type3A_79, %broadcast_in_dim3A_95 : vector<1x8xf32>
    %slice3A_97 = vector.extract_strided_slice %convert_element_type3A_4 {offsets = [512, 0], sizes = [512, 8], strides = [1, 1]} : vector<4096x8xf32> to vector<512x8xf32>
    %convert_element_type3A_98 = arith.truncf %slice3A_97 : vector<512x8xf32> to vector<512x8xbf16>
    %convert_element_type3A_99 = arith.truncf %convert_element_type3A_78 : vector<512x512xf32> to vector<512x512xbf16>
    %dot_general3A_100 = arith.constant dense<0.000000e+00> : vector<512x8xf32>
    %dot_general3A_101 = tpu.matmul %convert_element_type3A_99, %convert_element_type3A_98, %dot_general3A_100 {dimension_numbers = #tpu.dot_dimension_numbers<[1], [0], [0], [1], [0, 0, 1, 1], [], []>, transpose_lhs_hint = false} : vector<512x512xbf16>, vector<512x8xbf16>, vector<512x8xf32> -> vector<512x8xf32>
    %add3A_102 = vector.broadcast %add3A_96 : vector<1x8xf32> to vector<512x8xf32>
    %add3A_103 = arith.addf %dot_general3A_101, %add3A_102 : vector<512x8xf32>
    %mul3A_104 = arith.mulf %add3A_103, %slice3A_97 : vector<512x8xf32>
    %reduce_sum3A_105 = arith.constant dense<0.000000e+00> : vector<512xf32>
    %reduce_sum3A_106 = vector.multi_reduction <add>, %mul3A_104, %reduce_sum3A_105 [1] : vector<512x8xf32> to vector<512xf32>
    %broadcast_in_dim3A_107 = vector.shape_cast %reduce_sum3A_106 : vector<512xf32> to vector<512x1xf32>
    %convert_element_type3A_108 = arith.fptosi %broadcast_in_dim3A_107 : vector<512x1xf32> to vector<512x1xi32>
    %swap3A_109 = arith.constant 512 : index
    %swap3A_110 = arith.constant 0 : index
    %swap3A_111 = vector.load %arg1[%swap3A_109, %swap3A_110] : memref<4096x1xi32, #tpu.memory_space<vmem>>, vector<512x1xi32>
    tpu.vector_store %arg1[%swap3A_109, %swap3A_110], %convert_element_type3A_108 {strides = array<i32>} : memref<4096x1xi32, #tpu.memory_space<vmem>>, vector<512x1xi32>,
    %reduce_sum3A_112 = arith.constant dense<0.000000e+00> : vector<8xf32>
    %reduce_sum3A_113 = vector.multi_reduction <add>, %slice3A_97, %reduce_sum3A_112 [0] : vector<512x8xf32> to vector<8xf32>
    %broadcast_in_dim3A_114 = vector.shape_cast %reduce_sum3A_113 : vector<8xf32> to vector<1x8xf32>
    %add3A_115 = arith.addf %add3A_96, %broadcast_in_dim3A_114 : vector<1x8xf32>
    %slice3A_116 = vector.extract_strided_slice %convert_element_type3A_4 {offsets = [1024, 0], sizes = [512, 8], strides = [1, 1]} : vector<4096x8xf32> to vector<512x8xf32>
    %convert_element_type3A_117 = arith.truncf %slice3A_116 : vector<512x8xf32> to vector<512x8xbf16>
    %convert_element_type3A_118 = arith.truncf %convert_element_type3A_78 : vector<512x512xf32> to vector<512x512xbf16>
    %dot_general3A_119 = arith.constant dense<0.000000e+00> : vector<512x8xf32>
    %dot_general3A_120 = tpu.matmul %convert_element_type3A_118, %convert_element_type3A_117, %dot_general3A_119 {dimension_numbers = #tpu.dot_dimension_numbers<[1], [0], [0], [1], [0, 0, 1, 1], [], []>, transpose_lhs_hint = false} : vector<512x512xbf16>, vector<512x8xbf16>, vector<512x8xf32> -> vector<512x8xf32>
    %add3A_121 = vector.broadcast %add3A_115 : vector<1x8xf32> to vector<512x8xf32>
    %add3A_122 = arith.addf %dot_general3A_120, %add3A_121 : vector<512x8xf32>
    %mul3A_123 = arith.mulf %add3A_122, %slice3A_116 : vector<512x8xf32>
    %reduce_sum3A_124 = arith.constant dense<0.000000e+00> : vector<512xf32>
    %reduce_sum3A_125 = vector.multi_reduction <add>, %mul3A_123, %reduce_sum3A_124 [1] : vector<512x8xf32> to vector<512xf32>
    %broadcast_in_dim3A_126 = vector.shape_cast %reduce_sum3A_125 : vector<512xf32> to vector<512x1xf32>
    %convert_element_type3A_127 = arith.fptosi %broadcast_in_dim3A_126 : vector<512x1xf32> to vector<512x1xi32>
    %swap3A_128 = arith.constant 1024 : index
    %swap3A_129 = arith.constant 0 : index
    %swap3A_130 = vector.load %arg1[%swap3A_128, %swap3A_129] : memref<4096x1xi32, #tpu.memory_space<vmem>>, vector<512x1xi32>
    tpu.vector_store %arg1[%swap3A_128, %swap3A_129], %convert_element_type3A_127 {strides = array<i32>} : memref<4096x1xi32, #tpu.memory_space<vmem>>, vector<512x1xi32>,
    %reduce_sum3A_131 = arith.constant dense<0.000000e+00> : vector<8xf32>
    %reduce_sum3A_132 = vector.multi_reduction <add>, %slice3A_116, %reduce_sum3A_131 [0] : vector<512x8xf32> to vector<8xf32>
    %broadcast_in_dim3A_133 = vector.shape_cast %reduce_sum3A_132 : vector<8xf32> to vector<1x8xf32>
    %add3A_134 = arith.addf %add3A_115, %broadcast_in_dim3A_133 : vector<1x8xf32>
    %slice3A_135 = vector.extract_strided_slice %convert_element_type3A_4 {offsets = [1536, 0], sizes = [512, 8], strides = [1, 1]} : vector<4096x8xf32> to vector<512x8xf32>
    %convert_element_type3A_136 = arith.truncf %slice3A_135 : vector<512x8xf32> to vector<512x8xbf16>
    %convert_element_type3A_137 = arith.truncf %convert_element_type3A_78 : vector<512x512xf32> to vector<512x512xbf16>
    %dot_general3A_138 = arith.constant dense<0.000000e+00> : vector<512x8xf32>
    %dot_general3A_139 = tpu.matmul %convert_element_type3A_137, %convert_element_type3A_136, %dot_general3A_138 {dimension_numbers = #tpu.dot_dimension_numbers<[1], [0], [0], [1], [0, 0, 1, 1], [], []>, transpose_lhs_hint = false} : vector<512x512xbf16>, vector<512x8xbf16>, vector<512x8xf32> -> vector<512x8xf32>
    %add3A_140 = vector.broadcast %add3A_134 : vector<1x8xf32> to vector<512x8xf32>
    %add3A_141 = arith.addf %dot_general3A_139, %add3A_140 : vector<512x8xf32>
    %mul3A_142 = arith.mulf %add3A_141, %slice3A_135 : vector<512x8xf32>
    %reduce_sum3A_143 = arith.constant dense<0.000000e+00> : vector<512xf32>
    %reduce_sum3A_144 = vector.multi_reduction <add>, %mul3A_142, %reduce_sum3A_143 [1] : vector<512x8xf32> to vector<512xf32>
    %broadcast_in_dim3A_145 = vector.shape_cast %reduce_sum3A_144 : vector<512xf32> to vector<512x1xf32>
    %convert_element_type3A_146 = arith.fptosi %broadcast_in_dim3A_145 : vector<512x1xf32> to vector<512x1xi32>
    %swap3A_147 = arith.constant 1536 : index
    %swap3A_148 = arith.constant 0 : index
    %swap3A_149 = vector.load %arg1[%swap3A_147, %swap3A_148] : memref<4096x1xi32, #tpu.memory_space<vmem>>, vector<512x1xi32>
    tpu.vector_store %arg1[%swap3A_147, %swap3A_148], %convert_element_type3A_146 {strides = array<i32>} : memref<4096x1xi32, #tpu.memory_space<vmem>>, vector<512x1xi32>,
    %reduce_sum3A_150 = arith.constant dense<0.000000e+00> : vector<8xf32>
    %reduce_sum3A_151 = vector.multi_reduction <add>, %slice3A_135, %reduce_sum3A_150 [0] : vector<512x8xf32> to vector<8xf32>
    %broadcast_in_dim3A_152 = vector.shape_cast %reduce_sum3A_151 : vector<8xf32> to vector<1x8xf32>
    %add3A_153 = arith.addf %add3A_134, %broadcast_in_dim3A_152 : vector<1x8xf32>
    %slice3A_154 = vector.extract_strided_slice %convert_element_type3A_4 {offsets = [2048, 0], sizes = [512, 8], strides = [1, 1]} : vector<4096x8xf32> to vector<512x8xf32>
    %convert_element_type3A_155 = arith.truncf %slice3A_154 : vector<512x8xf32> to vector<512x8xbf16>
    %convert_element_type3A_156 = arith.truncf %convert_element_type3A_78 : vector<512x512xf32> to vector<512x512xbf16>
    %dot_general3A_157 = arith.constant dense<0.000000e+00> : vector<512x8xf32>
    %dot_general3A_158 = tpu.matmul %convert_element_type3A_156, %convert_element_type3A_155, %dot_general3A_157 {dimension_numbers = #tpu.dot_dimension_numbers<[1], [0], [0], [1], [0, 0, 1, 1], [], []>, transpose_lhs_hint = false} : vector<512x512xbf16>, vector<512x8xbf16>, vector<512x8xf32> -> vector<512x8xf32>
    %add3A_159 = vector.broadcast %add3A_153 : vector<1x8xf32> to vector<512x8xf32>
    %add3A_160 = arith.addf %dot_general3A_158, %add3A_159 : vector<512x8xf32>
    %mul3A_161 = arith.mulf %add3A_160, %slice3A_154 : vector<512x8xf32>
    %reduce_sum3A_162 = arith.constant dense<0.000000e+00> : vector<512xf32>
    %reduce_sum3A_163 = vector.multi_reduction <add>, %mul3A_161, %reduce_sum3A_162 [1] : vector<512x8xf32> to vector<512xf32>
    %broadcast_in_dim3A_164 = vector.shape_cast %reduce_sum3A_163 : vector<512xf32> to vector<512x1xf32>
    %convert_element_type3A_165 = arith.fptosi %broadcast_in_dim3A_164 : vector<512x1xf32> to vector<512x1xi32>
    %swap3A_166 = arith.constant 2048 : index
    %swap3A_167 = arith.constant 0 : index
    %swap3A_168 = vector.load %arg1[%swap3A_166, %swap3A_167] : memref<4096x1xi32, #tpu.memory_space<vmem>>, vector<512x1xi32>
    tpu.vector_store %arg1[%swap3A_166, %swap3A_167], %convert_element_type3A_165 {strides = array<i32>} : memref<4096x1xi32, #tpu.memory_space<vmem>>, vector<512x1xi32>,
    %reduce_sum3A_169 = arith.constant dense<0.000000e+00> : vector<8xf32>
    %reduce_sum3A_170 = vector.multi_reduction <add>, %slice3A_154, %reduce_sum3A_169 [0] : vector<512x8xf32> to vector<8xf32>
    %broadcast_in_dim3A_171 = vector.shape_cast %reduce_sum3A_170 : vector<8xf32> to vector<1x8xf32>
    %add3A_172 = arith.addf %add3A_153, %broadcast_in_dim3A_171 : vector<1x8xf32>
    %slice3A_173 = vector.extract_strided_slice %convert_element_type3A_4 {offsets = [2560, 0], sizes = [512, 8], strides = [1, 1]} : vector<4096x8xf32> to vector<512x8xf32>
    %convert_element_type3A_174 = arith.truncf %slice3A_173 : vector<512x8xf32> to vector<512x8xbf16>
    %convert_element_type3A_175 = arith.truncf %convert_element_type3A_78 : vector<512x512xf32> to vector<512x512xbf16>
    %dot_general3A_176 = arith.constant dense<0.000000e+00> : vector<512x8xf32>
    %dot_general3A_177 = tpu.matmul %convert_element_type3A_175, %convert_element_type3A_174, %dot_general3A_176 {dimension_numbers = #tpu.dot_dimension_numbers<[1], [0], [0], [1], [0, 0, 1, 1], [], []>, transpose_lhs_hint = false} : vector<512x512xbf16>, vector<512x8xbf16>, vector<512x8xf32> -> vector<512x8xf32>
    %add3A_178 = vector.broadcast %add3A_172 : vector<1x8xf32> to vector<512x8xf32>
    %add3A_179 = arith.addf %dot_general3A_177, %add3A_178 : vector<512x8xf32>
    %mul3A_180 = arith.mulf %add3A_179, %slice3A_173 : vector<512x8xf32>
    %reduce_sum3A_181 = arith.constant dense<0.000000e+00> : vector<512xf32>
    %reduce_sum3A_182 = vector.multi_reduction <add>, %mul3A_180, %reduce_sum3A_181 [1] : vector<512x8xf32> to vector<512xf32>
    %broadcast_in_dim3A_183 = vector.shape_cast %reduce_sum3A_182 : vector<512xf32> to vector<512x1xf32>
    %convert_element_type3A_184 = arith.fptosi %broadcast_in_dim3A_183 : vector<512x1xf32> to vector<512x1xi32>
    %swap3A_185 = arith.constant 2560 : index
    %swap3A_186 = arith.constant 0 : index
    %swap3A_187 = vector.load %arg1[%swap3A_185, %swap3A_186] : memref<4096x1xi32, #tpu.memory_space<vmem>>, vector<512x1xi32>
    tpu.vector_store %arg1[%swap3A_185, %swap3A_186], %convert_element_type3A_184 {strides = array<i32>} : memref<4096x1xi32, #tpu.memory_space<vmem>>, vector<512x1xi32>,
    %reduce_sum3A_188 = arith.constant dense<0.000000e+00> : vector<8xf32>
    %reduce_sum3A_189 = vector.multi_reduction <add>, %slice3A_173, %reduce_sum3A_188 [0] : vector<512x8xf32> to vector<8xf32>
    %broadcast_in_dim3A_190 = vector.shape_cast %reduce_sum3A_189 : vector<8xf32> to vector<1x8xf32>
    %add3A_191 = arith.addf %add3A_172, %broadcast_in_dim3A_190 : vector<1x8xf32>
    %slice3A_192 = vector.extract_strided_slice %convert_element_type3A_4 {offsets = [3072, 0], sizes = [512, 8], strides = [1, 1]} : vector<4096x8xf32> to vector<512x8xf32>
    %convert_element_type3A_193 = arith.truncf %slice3A_192 : vector<512x8xf32> to vector<512x8xbf16>
    %convert_element_type3A_194 = arith.truncf %convert_element_type3A_78 : vector<512x512xf32> to vector<512x512xbf16>
    %dot_general3A_195 = arith.constant dense<0.000000e+00> : vector<512x8xf32>
    %dot_general3A_196 = tpu.matmul %convert_element_type3A_194, %convert_element_type3A_193, %dot_general3A_195 {dimension_numbers = #tpu.dot_dimension_numbers<[1], [0], [0], [1], [0, 0, 1, 1], [], []>, transpose_lhs_hint = false} : vector<512x512xbf16>, vector<512x8xbf16>, vector<512x8xf32> -> vector<512x8xf32>
    %add3A_197 = vector.broadcast %add3A_191 : vector<1x8xf32> to vector<512x8xf32>
    %add3A_198 = arith.addf %dot_general3A_196, %add3A_197 : vector<512x8xf32>
    %mul3A_199 = arith.mulf %add3A_198, %slice3A_192 : vector<512x8xf32>
    %reduce_sum3A_200 = arith.constant dense<0.000000e+00> : vector<512xf32>
    %reduce_sum3A_201 = vector.multi_reduction <add>, %mul3A_199, %reduce_sum3A_200 [1] : vector<512x8xf32> to vector<512xf32>
    %broadcast_in_dim3A_202 = vector.shape_cast %reduce_sum3A_201 : vector<512xf32> to vector<512x1xf32>
    %convert_element_type3A_203 = arith.fptosi %broadcast_in_dim3A_202 : vector<512x1xf32> to vector<512x1xi32>
    %swap3A_204 = arith.constant 3072 : index
    %swap3A_205 = arith.constant 0 : index
    %swap3A_206 = vector.load %arg1[%swap3A_204, %swap3A_205] : memref<4096x1xi32, #tpu.memory_space<vmem>>, vector<512x1xi32>
    tpu.vector_store %arg1[%swap3A_204, %swap3A_205], %convert_element_type3A_203 {strides = array<i32>} : memref<4096x1xi32, #tpu.memory_space<vmem>>, vector<512x1xi32>,
    %reduce_sum3A_207 = arith.constant dense<0.000000e+00> : vector<8xf32>
    %reduce_sum3A_208 = vector.multi_reduction <add>, %slice3A_192, %reduce_sum3A_207 [0] : vector<512x8xf32> to vector<8xf32>
    %broadcast_in_dim3A_209 = vector.shape_cast %reduce_sum3A_208 : vector<8xf32> to vector<1x8xf32>
    %add3A_210 = arith.addf %add3A_191, %broadcast_in_dim3A_209 : vector<1x8xf32>
    %slice3A_211 = vector.extract_strided_slice %convert_element_type3A_4 {offsets = [3584, 0], sizes = [512, 8], strides = [1, 1]} : vector<4096x8xf32> to vector<512x8xf32>
    %convert_element_type3A_212 = arith.truncf %slice3A_211 : vector<512x8xf32> to vector<512x8xbf16>
    %convert_element_type3A_213 = arith.truncf %convert_element_type3A_78 : vector<512x512xf32> to vector<512x512xbf16>
    %dot_general3A_214 = arith.constant dense<0.000000e+00> : vector<512x8xf32>
    %dot_general3A_215 = tpu.matmul %convert_element_type3A_213, %convert_element_type3A_212, %dot_general3A_214 {dimension_numbers = #tpu.dot_dimension_numbers<[1], [0], [0], [1], [0, 0, 1, 1], [], []>, transpose_lhs_hint = false} : vector<512x512xbf16>, vector<512x8xbf16>, vector<512x8xf32> -> vector<512x8xf32>
    %add3A_216 = vector.broadcast %add3A_210 : vector<1x8xf32> to vector<512x8xf32>
    %add3A_217 = arith.addf %dot_general3A_215, %add3A_216 : vector<512x8xf32>
    %mul3A_218 = arith.mulf %add3A_217, %slice3A_211 : vector<512x8xf32>
    %reduce_sum3A_219 = arith.constant dense<0.000000e+00> : vector<512xf32>
    %reduce_sum3A_220 = vector.multi_reduction <add>, %mul3A_218, %reduce_sum3A_219 [1] : vector<512x8xf32> to vector<512xf32>
    %broadcast_in_dim3A_221 = vector.shape_cast %reduce_sum3A_220 : vector<512xf32> to vector<512x1xf32>
    %convert_element_type3A_222 = arith.fptosi %broadcast_in_dim3A_221 : vector<512x1xf32> to vector<512x1xi32>
    %swap3A_223 = arith.constant 3584 : index
    %swap3A_224 = arith.constant 0 : index
    %swap3A_225 = vector.load %arg1[%swap3A_223, %swap3A_224] : memref<4096x1xi32, #tpu.memory_space<vmem>>, vector<512x1xi32>
    tpu.vector_store %arg1[%swap3A_223, %swap3A_224], %convert_element_type3A_222 {strides = array<i32>} : memref<4096x1xi32, #tpu.memory_space<vmem>>, vector<512x1xi32>,
    %add3A_226 = arith.addi %add3A_71, %and3A_10 : vector<1x8xi32>
    %iota3A_227 = tpu.iota {dimensions = array<i32: 0>} : vector<24x1xi32>
    %mul3A_228 = arith.constant 256 : i32
    %mul3A_229 = vector.broadcast %mul3A_228 : i32 to vector<24x1xi32>
    %mul3A_230 = arith.muli %iota3A_227, %mul3A_229 : vector<24x1xi32>
    %ge3A_231 = vector.broadcast %mul3A_230 : vector<24x1xi32> to vector<24x8xi32>
    %ge3A_232 = vector.broadcast %add3A_226 : vector<1x8xi32> to vector<24x8xi32>
    %ge3A_233 = arith.cmpi sge, %ge3A_231, %ge3A_232 : vector<24x8xi32>
    %convert_element_type3A_234 = arith.extui %ge3A_233 : vector<24x8xi1> to vector<24x8xi32>
    %reduce_sum3A_235 = arith.constant dense<0> : vector<24xi32>
    %reduce_sum3A_236 = vector.multi_reduction <add>, %convert_element_type3A_234, %reduce_sum3A_235 [1] : vector<24x8xi32> to vector<24xi32>
    %broadcast_in_dim3A_237 = vector.shape_cast %reduce_sum3A_236 : vector<24xi32> to vector<24x1xi32>
    %min3A = arith.constant 7 : i32
    %min3A_238 = vector.broadcast %min3A : i32 to vector<24x1xi32>
    %min3A_239 = arith.minsi %broadcast_in_dim3A_237, %min3A_238 : vector<24x1xi32>
    %swap3A_240 = arith.constant 0 : index
    %swap3A_241 = arith.constant 0 : index
    %swap3A_242 = vector.load %arg2[%swap3A_240, %swap3A_241] : memref<24x1xi32, #tpu.memory_space<vmem>>, vector<24x1xi32>
    tpu.vector_store %arg2[%swap3A_240, %swap3A_241], %min3A_239 {strides = array<i32>} : memref<24x1xi32, #tpu.memory_space<vmem>>, vector<24x1xi32>,
    %lt3A = vector.broadcast %broadcast_in_dim3A_74 : vector<1x1xi32> to vector<24x1xi32>
    %lt3A_243 = arith.cmpi slt, %mul3A_230, %lt3A : vector<24x1xi32>
    %convert_element_type3A_244 = arith.extui %lt3A_243 : vector<24x1xi1> to vector<24x1xi32>
    %swap3A_245 = arith.constant 0 : index
    %swap3A_246 = arith.constant 0 : index
    %swap3A_247 = vector.load %arg3[%swap3A_245, %swap3A_246] : memref<24x1xi32, #tpu.memory_space<vmem>>, vector<24x1xi32>
    tpu.vector_store %arg3[%swap3A_245, %swap3A_246], %convert_element_type3A_244 {strides = array<i32>} : memref<24x1xi32, #tpu.memory_space<vmem>>, vector<24x1xi32>,
    return
  }
}

module attributes {stable_mosaic.version = 14 : i64} {
  func.func @_ffn_body(%arg0: i32, %arg1: memref<24xi32, #tpu.memory_space<smem>>, %arg2: memref<24xi32, #tpu.memory_space<smem>>, %arg3: memref<256x1024xf32, #tpu.memory_space<vmem>>, %arg4: memref<1x1024x2048xbf16, #tpu.memory_space<vmem>>, %arg5: memref<1x1x2048xf32, #tpu.memory_space<vmem>>, %arg6: memref<1x2048x1024xbf16, #tpu.memory_space<vmem>>, %arg7: memref<1x1x1024xf32, #tpu.memory_space<vmem>>, %arg8: memref<1024x1024xbf16, #tpu.memory_space<vmem>>, %arg9: memref<1x1024xf32, #tpu.memory_space<vmem>>, %arg10: memref<256x1024xf32, #tpu.memory_space<vmem>>) attributes {dimension_semantics = [#tpu.dimension_semantics<arbitrary>], iteration_bounds = array<i64: 24>, scalar_prefetch = 2 : i64, scratch_operands = 0 : i64, tpu.core_type = #tpu.core_type<tc>, window_params = [{transform_indices = @transform_0, window_bounds = array<i64: 256, 1024>}, {transform_indices = @transform_1, window_bounds = array<i64: 1, 1024, 2048>}, {transform_indices = @transform_2, window_bounds = array<i64: 1, 1, 2048>}, {transform_indices = @transform_3, window_bounds = array<i64: 1, 2048, 1024>}, {transform_indices = @transform_4, window_bounds = array<i64: 1, 1, 1024>}, {pipeline_mode = #tpu.pipeline_mode<synchronous>, transform_indices = @transform_5, window_bounds = array<i64: 1024, 1024>}, {pipeline_mode = #tpu.pipeline_mode<synchronous>, transform_indices = @transform_6, window_bounds = array<i64: 1, 1024>}, {transform_indices = @transform_7, window_bounds = array<i64: 256, 1024>}]} {
    %get3A = arith.index_cast %arg0 : i32 to index
    %get3A_0 = memref.load %arg2[%get3A] : memref<24xi32, #tpu.memory_space<smem>>
    %eq3A = arith.constant 1 : i32
    %eq3A_1 = arith.cmpi eq, %get3A_0, %eq3A : i32
    %convert_element_type3A = arith.extui %eq3A_1 : i1 to i32
    %cond3A = arith.constant 0 : i32
    %cond3A_2 = arith.cmpi ne, %convert_element_type3A, %cond3A : i32
    scf.if %cond3A_2 {
      %get3A_3 = arith.constant 0 : index
      %get3A_4 = arith.constant 0 : index
      %get3A_5 = vector.load %arg3[%get3A_3, %get3A_4] : memref<256x1024xf32, #tpu.memory_space<vmem>>, vector<256x1024xf32>
      %get3A_6 = arith.constant 0 : index
      %get3A_7 = arith.constant 0 : index
      %get3A_8 = arith.constant 0 : index
      %get3A_9 = vector.load %arg4[%get3A_6, %get3A_7, %get3A_8] : memref<1x1024x2048xbf16, #tpu.memory_space<vmem>>, vector<1x1024x2048xbf16>
      %get3A_10 = vector.shape_cast %get3A_9 : vector<1x1024x2048xbf16> to vector<1024x2048xbf16>
      %convert_element_type3A_11 = arith.truncf %get3A_5 : vector<256x1024xf32> to vector<256x1024xbf16>
      %dot_general3A = arith.constant dense<0.000000e+00> : vector<256x2048xf32>
      %dot_general3A_12 = tpu.matmul %convert_element_type3A_11, %get3A_10, %dot_general3A {dimension_numbers = #tpu.dot_dimension_numbers<[1], [0], [0], [1], [0, 0, 1, 1], [], []>, transpose_lhs_hint = false} : vector<256x1024xbf16>, vector<1024x2048xbf16>, vector<256x2048xf32> -> vector<256x2048xf32>
      %get3A_13 = arith.constant 0 : index
      %get3A_14 = arith.constant 0 : index
      %get3A_15 = arith.constant 0 : index
      %get3A_16 = vector.load %arg5[%get3A_13, %get3A_14, %get3A_15] : memref<1x1x2048xf32, #tpu.memory_space<vmem>>, vector<1x1x2048xf32>
      %get3A_17 = vector.shape_cast %get3A_16 : vector<1x1x2048xf32> to vector<1x2048xf32>
      %add3A = vector.broadcast %get3A_17 : vector<1x2048xf32> to vector<256x2048xf32>
      %add3A_18 = arith.addf %dot_general3A_12, %add3A : vector<256x2048xf32>
      %mul3A = arith.constant 5.000000e-01 : f32
      %mul3A_19 = vector.broadcast %mul3A : f32 to vector<256x2048xf32>
      %mul3A_20 = arith.mulf %mul3A_19, %add3A_18 : vector<256x2048xf32>
      %mul3A_21 = arith.constant 0.707106769 : f32
      %mul3A_22 = vector.broadcast %mul3A_21 : f32 to vector<256x2048xf32>
      %mul3A_23 = arith.mulf %add3A_18, %mul3A_22 : vector<256x2048xf32>
      %erf3A = math.erf %mul3A_23 : vector<256x2048xf32>
      %add3A_24 = arith.constant 1.000000e+00 : f32
      %add3A_25 = vector.broadcast %add3A_24 : f32 to vector<256x2048xf32>
      %add3A_26 = arith.addf %add3A_25, %erf3A : vector<256x2048xf32>
      %mul3A_27 = arith.mulf %mul3A_20, %add3A_26 : vector<256x2048xf32>
      %get3A_28 = arith.constant 0 : index
      %get3A_29 = arith.constant 0 : index
      %get3A_30 = arith.constant 0 : index
      %get3A_31 = vector.load %arg6[%get3A_28, %get3A_29, %get3A_30] : memref<1x2048x1024xbf16, #tpu.memory_space<vmem>>, vector<1x2048x1024xbf16>
      %get3A_32 = vector.shape_cast %get3A_31 : vector<1x2048x1024xbf16> to vector<2048x1024xbf16>
      %convert_element_type3A_33 = arith.truncf %mul3A_27 : vector<256x2048xf32> to vector<256x2048xbf16>
      %dot_general3A_34 = arith.constant dense<0.000000e+00> : vector<256x1024xf32>
      %dot_general3A_35 = tpu.matmul %convert_element_type3A_33, %get3A_32, %dot_general3A_34 {dimension_numbers = #tpu.dot_dimension_numbers<[1], [0], [0], [1], [0, 0, 1, 1], [], []>, transpose_lhs_hint = false} : vector<256x2048xbf16>, vector<2048x1024xbf16>, vector<256x1024xf32> -> vector<256x1024xf32>
      %get3A_36 = arith.constant 0 : index
      %get3A_37 = arith.constant 0 : index
      %get3A_38 = arith.constant 0 : index
      %get3A_39 = vector.load %arg7[%get3A_36, %get3A_37, %get3A_38] : memref<1x1x1024xf32, #tpu.memory_space<vmem>>, vector<1x1x1024xf32>
      %get3A_40 = vector.shape_cast %get3A_39 : vector<1x1x1024xf32> to vector<1x1024xf32>
      %add3A_41 = vector.broadcast %get3A_40 : vector<1x1024xf32> to vector<256x1024xf32>
      %add3A_42 = arith.addf %dot_general3A_35, %add3A_41 : vector<256x1024xf32>
      %get3A_43 = arith.constant 0 : index
      %get3A_44 = arith.constant 0 : index
      %get3A_45 = vector.load %arg8[%get3A_43, %get3A_44] : memref<1024x1024xbf16, #tpu.memory_space<vmem>>, vector<1024x1024xbf16>
      %convert_element_type3A_46 = arith.truncf %add3A_42 : vector<256x1024xf32> to vector<256x1024xbf16>
      %dot_general3A_47 = arith.constant dense<0.000000e+00> : vector<256x1024xf32>
      %dot_general3A_48 = tpu.matmul %convert_element_type3A_46, %get3A_45, %dot_general3A_47 {dimension_numbers = #tpu.dot_dimension_numbers<[1], [0], [0], [1], [0, 0, 1, 1], [], []>, transpose_lhs_hint = false} : vector<256x1024xbf16>, vector<1024x1024xbf16>, vector<256x1024xf32> -> vector<256x1024xf32>
      %get3A_49 = arith.constant 0 : index
      %get3A_50 = arith.constant 0 : index
      %get3A_51 = vector.load %arg9[%get3A_49, %get3A_50] : memref<1x1024xf32, #tpu.memory_space<vmem>>, vector<1x1024xf32>
      %add3A_52 = vector.broadcast %get3A_51 : vector<1x1024xf32> to vector<256x1024xf32>
      %add3A_53 = arith.addf %dot_general3A_48, %add3A_52 : vector<256x1024xf32>
      %swap3A = arith.constant 0 : index
      %swap3A_54 = arith.constant 0 : index
      %swap3A_55 = vector.load %arg10[%swap3A, %swap3A_54] : memref<256x1024xf32, #tpu.memory_space<vmem>>, vector<256x1024xf32>
      tpu.vector_store %arg10[%swap3A, %swap3A_54], %add3A_53 {strides = array<i32>} : memref<256x1024xf32, #tpu.memory_space<vmem>>, vector<256x1024xf32>,
    } else {
    }
    return
  }
  func.func @transform_0(%arg0: i32, %arg1: memref<24xi32, #tpu.memory_space<smem>>, %arg2: memref<24xi32, #tpu.memory_space<smem>>) -> (i32, i32) {
    %c0_i32 = arith.constant 0 : i32
    %c0_i32_0 = arith.constant 0 : i32
    return %arg0, %c0_i32 : i32, i32
  }
  func.func @transform_1(%arg0: i32, %arg1: memref<24xi32, #tpu.memory_space<smem>>, %arg2: memref<24xi32, #tpu.memory_space<smem>>) -> (i32, i32, i32) {
    %get3A = arith.index_cast %arg0 : i32 to index
    %get3A_0 = memref.load %arg1[%get3A] : memref<24xi32, #tpu.memory_space<smem>>
    %c0_i32 = arith.constant 0 : i32
    %c0_i32_1 = arith.constant 0 : i32
    %c0_i32_2 = arith.constant 0 : i32
    return %get3A_0, %c0_i32, %c0_i32_1 : i32, i32, i32
  }
  func.func @transform_2(%arg0: i32, %arg1: memref<24xi32, #tpu.memory_space<smem>>, %arg2: memref<24xi32, #tpu.memory_space<smem>>) -> (i32, i32, i32) {
    %get3A = arith.index_cast %arg0 : i32 to index
    %get3A_0 = memref.load %arg1[%get3A] : memref<24xi32, #tpu.memory_space<smem>>
    %c0_i32 = arith.constant 0 : i32
    %c0_i32_1 = arith.constant 0 : i32
    %c0_i32_2 = arith.constant 0 : i32
    return %get3A_0, %c0_i32, %c0_i32_1 : i32, i32, i32
  }
  func.func @transform_3(%arg0: i32, %arg1: memref<24xi32, #tpu.memory_space<smem>>, %arg2: memref<24xi32, #tpu.memory_space<smem>>) -> (i32, i32, i32) {
    %get3A = arith.index_cast %arg0 : i32 to index
    %get3A_0 = memref.load %arg1[%get3A] : memref<24xi32, #tpu.memory_space<smem>>
    %c0_i32 = arith.constant 0 : i32
    %c0_i32_1 = arith.constant 0 : i32
    %c0_i32_2 = arith.constant 0 : i32
    return %get3A_0, %c0_i32, %c0_i32_1 : i32, i32, i32
  }
  func.func @transform_4(%arg0: i32, %arg1: memref<24xi32, #tpu.memory_space<smem>>, %arg2: memref<24xi32, #tpu.memory_space<smem>>) -> (i32, i32, i32) {
    %get3A = arith.index_cast %arg0 : i32 to index
    %get3A_0 = memref.load %arg1[%get3A] : memref<24xi32, #tpu.memory_space<smem>>
    %c0_i32 = arith.constant 0 : i32
    %c0_i32_1 = arith.constant 0 : i32
    %c0_i32_2 = arith.constant 0 : i32
    return %get3A_0, %c0_i32, %c0_i32_1 : i32, i32, i32
  }
  func.func @transform_5(%arg0: i32, %arg1: memref<24xi32, #tpu.memory_space<smem>>, %arg2: memref<24xi32, #tpu.memory_space<smem>>) -> (i32, i32) {
    %c0_i32 = arith.constant 0 : i32
    %c0_i32_0 = arith.constant 0 : i32
    %c0_i32_1 = arith.constant 0 : i32
    return %c0_i32, %c0_i32_0 : i32, i32
  }
  func.func @transform_6(%arg0: i32, %arg1: memref<24xi32, #tpu.memory_space<smem>>, %arg2: memref<24xi32, #tpu.memory_space<smem>>) -> (i32, i32) {
    %c0_i32 = arith.constant 0 : i32
    %c0_i32_0 = arith.constant 0 : i32
    %c0_i32_1 = arith.constant 0 : i32
    return %c0_i32, %c0_i32_0 : i32, i32
  }
  func.func @transform_7(%arg0: i32, %arg1: memref<24xi32, #tpu.memory_space<smem>>, %arg2: memref<24xi32, #tpu.memory_space<smem>>) -> (i32, i32) {
    %c0_i32 = arith.constant 0 : i32
    %c0_i32_0 = arith.constant 0 : i32
    return %arg0, %c0_i32 : i32, i32
  }
}

</mosaic_0001>

<sc_bundles>
// kernel: kernel.10.cloned.1.call-start
scs
__scs_entry_jumppad:
0x0: {  	(pc) =	sbr.rel $0x88, $3  }
0x1: {  	(tag) =	ssettag $0x0;
	lr =	simm.s32 $0x1  }
0x2: {  	[smem:$0x3F96] =	sst lr;
	_ =	strace $0xD0000000  }
0x3: {  	_ = 	snop  }
0x4: {  	_ = 	snop  }
0x5: {  	_ = 	snop  }
0x6: {  	_ = 	snop  }
0x7: {  	_ = 	snop  }
__scs_overlays_trampoline_lowered:
0x8: {  	[smem:$0x3FA5] =	sst s0  }
0x9: {  	[smem:$0x3FA6] =	sst s1  }
0xa: {  	[smem:$0x3FA7] =	sst s2  }
0xb: {  	[smem:$0x3FA8] =	sst s3  }
0xc: {  	[smem:$0x3FA9] =	sst s4  }
0xd: {  	[smem:$0x3FAA] =	sst s5  }
0xe: {  	[smem:$0x3FAB] =	sst s6  }
0xf: {  	[smem:$0x3FAC] =	sst s7  }
0x10: {  	[smem:$0x3FAD] =	sst s8  }
0x11: {  	[smem:$0x3FAE] =	sst s9;
	s0 =	simm.s32 @!p0 $0x0  }
0x12: {  	s1 =	sld [smem:$0x3F94];
	s0 =	simm.s32 @p0 $0x1  }
0x13: {  	[smem:$0x3FAF] =	sst s0;
	s0 =	simm.s32 @!p1 $0x0  }
0x14: {  	s2 =	sld [smem:$0x3F93];
	s0 =	simm.s32 @p1 $0x1  }
0x15: {  	[smem:$0x3FB0] =	sst s0;
	s0 =	simm.s32 @!p2 $0x0  }
0x16: {  	s3 =	sld [smem:$0x3FDB];
	s0 =	simm.s32 @p2 $0x1  }
0x17: {  	s4 =	simm.s32 $0x1BF5;
	[smem:$0x3FB2] =	sst s0  }
0x18: {  	s0 =	sld [smem:$0x3F95];
	_ =	swait.ge [sflag:s4], $0x0  }
0x19: {  	s7 =	sld [smem:$0x3F96]  }
0x1a: {  	s8 =	sadd.s32 $0xFFFFE003, lr  }
0x1b: {  	s9 =	sadd.s32 $0xFFFFFEF7, lr;
	s5 =	simm.s32 $0xFFFFFFFF;
	p2 =	slt.u32 s8, $0xFFFFF086  }
0x1c: {  	p1 =	slt.u32 s9, $0xF7A;
	s5 =	simm.s32 @!p2 $0x0  }
0x1d: {  	s5 =	simm.s32 @p1 $0x1;
	p0 =	seq.s32 s7, s2  }
0x1e: {  	s7 =	smul.u32 @!p0 $0xF7A, s2;
	p2 =	seq.s32 @!p0 s5, $0x0  }
0x1f: {  	s9 =	smul.u32 $0xF7A, s1;
	s8 =	simm.s32 @!p0 $0x1BF5;
	p2 =	por !p2, p0  }
0x20: {  	[sflag:s8] =	ssyncset.s32 @!p0 $0xFFFFF086;
	s6 =	sadd.s32 @!p0 s3, s7;
	s7 =	simm.s32 @!p0 $0x108  }
0x21: {  	s3 =	sadd.s32 s3, s9;
	s6 =	sadd.s32 @!p0 $0x88, s6;
	s7 =	simm.s32 @p2 $0x1082  }
0x22: {  	[simem:s7], [sflag:s8] =	dma.local @!p0 [hbm:s6], $0xF7A  }
0x23: {  	s9 =	sor.u32 $0xD0000000, s2;
	s6 =	simm.s32 $0x108;
	_ =	swait.ge @!p0 [sflag:s8], $0x0  }
0x24: {  	s3 =	sadd.s32 $0x88, s3;
	s6 =	simm.s32 @!p1 $0x1082;
	[sflag:s4] =	ssyncset.s32 $0xFFFFF086  }
0x25: {  	[simem:s6], [sflag:s4] =	dma.local [hbm:s3], $0xF7A  }
0x26: {  	[smem:$0x3F96] =	sst s1;
	(tag) =	ssettag s2;
	_ =	strace s9  }
0x27: {  	s1 =	sld [smem:$0x3FA6]  }
0x28: {  	s2 =	sld [smem:$0x3FA7]  }
0x29: {  	s4 =	sld [smem:$0x3FA9]  }
0x2a: {  	p0 =	seq.s32 s5, $0x0;
	s5 =	sld [smem:$0x3FAA]  }
0x2b: {  	s6 =	sld [smem:$0x3FAB]  }
0x2c: {  	s7 =	sld [smem:$0x3FAC]  }
0x2d: {  	s3 =	simm.s32 $0x108;
	s8 =	sld [smem:$0x3FAD]  }
0x2e: {  	s3 =	simm.s32 @!p0 $0x1082;
	s9 =	sld [smem:$0x3FAE]  }
0x2f: {  	lr =	sadd.s32 s0, s3;
	s0 =	sld [smem:$0x3FA5]  }
0x30: {  	s3 =	sld [smem:$0x3FA8]  }
0x31: {  	[smem:$0x3FB1] =	sst s10  }
0x32: {  	s10 =	sld [smem:$0x3FAF];
	_ =	sdelay $0x3  }
0x33: {  	p0 =	seq.s32 s10, $0x1;
	s10 =	sld [smem:$0x3FB1];
	_ =	sdelay $0x3  }
0x34: {  	[smem:$0x3FB1] =	sst s10  }
0x35: {  	s10 =	sld [smem:$0x3FB0];
	_ =	sdelay $0x3  }
0x36: {  	p1 =	seq.s32 s10, $0x1;
	s10 =	sld [smem:$0x3FB1];
	_ =	sdelay $0x3  }
0x37: {  	[smem:$0x3FB1] =	sst s10  }
0x38: {  	s10 =	sld [smem:$0x3FB2]  }
0x39: {  	_ = 	snop;
	(pc) =	sbr.ind lr, $3  }
0x3a: {  	_ = 	snop  }
0x3b: {  	_ = 	snop  }
0x3c: {  	p2 =	seq.s32 s10, $0x1;
	s10 =	sld [smem:$0x3FB1]  }
0x3d: {  	_ =	shalt  }
0x3e: {  	_ =	shalt  }
0x3f: {  	_ =	shalt  }
0x40: {  	_ =	shalt  }
0x41: {  	_ =	shalt  }
0x42: {  	_ =	shalt  }
0x43: {  	_ =	shalt  }
0x44: {  	_ =	shalt  }
0x45: {  	_ =	shalt  }
0x46: {  	_ =	shalt  }
0x47: {  	_ =	shalt  }
0x48: {  	_ =	shalt  }
0x49: {  	_ =	shalt  }
0x4a: {  	_ =	shalt  }
0x4b: {  	_ =	shalt  }
0x4c: {  	_ =	shalt  }
0x4d: {  	_ =	shalt  }
0x4e: {  	_ =	shalt  }
0x4f: {  	_ =	shalt  }
0x50: {  	_ =	shalt  }
0x51: {  	_ =	shalt  }
0x52: {  	_ =	shalt  }
0x53: {  	_ =	shalt  }
0x54: {  	_ =	shalt  }
0x55: {  	_ =	shalt  }
0x56: {  	_ =	shalt  }
0x57: {  	_ =	shalt  }
0x58: {  	_ =	shalt  }
0x59: {  	_ =	shalt  }
0x5a: {  	_ =	shalt  }
0x5b: {  	_ =	shalt  }
0x5c: {  	_ =	shalt  }
0x5d: {  	_ =	shalt  }
0x5e: {  	_ =	shalt  }
0x5f: {  	_ =	shalt  }
0x60: {  	_ =	shalt  }
0x61: {  	_ =	shalt  }
0x62: {  	_ =	shalt  }
0x63: {  	_ =	shalt  }
0x64: {  	_ =	shalt  }
0x65: {  	_ =	shalt  }
0x66: {  	_ =	shalt  }
0x67: {  	_ =	shalt  }
0x68: {  	_ =	shalt  }
0x69: {  	_ =	shalt  }
0x6a: {  	_ =	shalt  }
0x6b: {  	_ =	shalt  }
0x6c: {  	_ =	shalt  }
0x6d: {  	_ =	shalt  }
0x6e: {  	_ =	shalt  }
0x6f: {  	_ =	shalt  }
0x70: {  	_ =	shalt  }
0x71: {  	_ =	shalt  }
0x72: {  	_ =	shalt  }
0x73: {  	_ =	shalt  }
0x74: {  	_ =	shalt  }
0x75: {  	_ =	shalt  }
0x76: {  	_ =	shalt  }
0x77: {  	_ =	shalt  }
0x78: {  	_ =	shalt  }
0x79: {  	_ =	shalt  }
0x7a: {  	_ =	shalt  }
0x7b: {  	_ =	shalt  }
0x7c: {  	_ =	shalt  }
0x7d: {  	_ =	shalt  }
0x7e: {  	_ =	shalt  }
0x7f: {  	_ =	shalt  }
0x80: {  	_ =	shalt  }
0x81: {  	_ =	shalt  }
0x82: {  	_ =	shalt  }
0x83: {  	_ =	shalt  }
0x84: {  	_ =	shalt  }
0x85: {  	_ =	shalt  }
0x86: {  	_ =	shalt  }
0x87: {  	_ =	shalt  }
.Lfunc_end0:
.L_simem_size_0:
called_computation.1_lowered:
.L_overlay_start_0:
0x88: {  	s2 =	sld [smem:$0x3FD9]  }
0x89: {  	s3 =	sld [smem:$0x3FFE];
	_ =	sdelay $0x1  }
0x8a: {  	s1 =	srdreg.scid  }
0x8b: {  	s0 =	sand.u32 $0x1, s1  }
0x8c: {  	s14 =	sshll.u32 s0, $0xA;
	s2 =	sadd.s32 s3, s2  }
0x8d: {  	s2 =	sadd.s32 s2, s14  }
0x8e: {  	[smem:$0x3FBD] =	sst s2  }
0x8f: {  	_ = 	snop  }
0x90: {  	s2 =	sld [smem:$0x3FD0];
	_ =	sdelay $0x2  }
0x91: {  	s15 =	simm.s32 $0xA;
	s4 =	simm.s32 $0x10  }
0x92: {  	[smem:s4], [sflag:s15] =	dma.local [hbm:s2], $0x1  }
0x93: {  	_ =	swait.eq [sflag:s15], $0x1  }
0x94: {  	[sflag:s15] =	ssyncset.done $0x0  }
0x95: {  	[sflag:s15] =	ssyncadd.s32 $0xFFFFFFFF  }
0x96: {  	s16 =	sld [smem:$0x10];
	(tm) =	ssettm $0x1  }
0x97: {  	s17 =	sld [smem:$0x3FFB];
	_ =	sdelay $0x3  }
0x98: {  	_ =	strace s17  }
0x99: {  	s3 =	sld [smem:$0x3FFC];
	_ =	sdelay $0x3  }
0x9a: {  	_ =	strace s3  }
0x9b: {  	s3 =	sld [smem:$0x3FFD];
	_ =	sdelay $0x3  }
0x9c: {  	_ =	strace s3  }
0x9d: {  	_ =	strace $0x8FFFFFFF  }
0x9e: {  	s18 =	sld [smem:$0x3FDB];
	_ =	sdelay $0x1  }
0x9f: {  	s19 =	simm.s32 $_scs_section_size  }
0xa0: {  	s5 =	simm.s32 $_size__tile_overlayer_lowered;
	s6 =	simm.s32 $_tile_overlayer_lowered  }
0xa1: {  	s22 =	simm.s32 $0x1BFF;
	s21 =	sshll.u32 s6, $0x1;
	s3 =	sadd.s32 s19, s18  }
0xa2: {  	s7 =	simm.s32 $0x0;
	s20 =	sshll.u32 s5, $0x1;
	s5 =	sadd.s32 s21, s3  }
0xa3: {  	[timem:s7], [sflag:s22] =	dma.local [hbm:s5], s20  }
0xa4: {  	_ =	swait.ge [sflag:s22], s20  }
0xa5: {  	s4 =	ssub.s32 $0x0, s20;
	[sflag:s22] =	ssyncset.done $0x0  }
0xa6: {  	[sflag:s22] =	ssyncadd.s32 s4;
	_ =	sdelay $0x1  }
0xa7: {  	s23 =	simm.s32 $0x1B8B  }
0xa8: {  	_ =	swait.ge [sflag:s23], $0x1  }
0xa9: {  	[sflag:s23] =	ssyncset.done $0x0  }
0xaa: {  	s25 =	simm.s32 $0x1B8E;
	s24 =	sld [smem:$0x3FFE];
	[sflag:s23] =	ssyncadd.s32 $0xFFFFFFFF  }
0xab: {  	s26 =	simm.s32 $execute0_lowered;
	[smem:$0x3FD2] =	sst s25  }
0xac: {  	s5 =	sshll.u32 s26, $0x1;
	_ =	strace $0x80000049;
	[dreg:$0x1] =	wrdreg $0xFFFFFFFF  }
0xad: {  	s28 =	simm.s32 $_size_execute0_lowered;
	s3 =	sadd.s32 s3, s5;
	[dreg:$0x0] =	wrdreg $0x0  }
0xae: {  	s5 =	sshll.u32 s28, $0x1;
	[dreg:$0x2] =	wrdreg s3  }
0xaf: {  	[dreg:$0x3] =	wrdreg s5  }
0xb0: {  	[dreg:$0x4] =	wrdreg $0xC0  }
0xb1: {  	_ =	task [dreg:s7], $0x5FFFF  }
0xb2: {  	[dreg:$0x1] =	wrdreg $0xFFFFFFFF  }
0xb3: {  	[dreg:$0x0] =	wrdreg $0x60  }
0xb4: {  	[dreg:$0x2] =	wrdreg s24  }
0xb5: {  	[dreg:$0x3] =	wrdreg s16  }
0xb6: {  	[dreg:$0x4] =	wrdreg $0x9  }
0xb7: {  	_ =	task.clear_ibuf [dreg:s7], $0x5FFFF;
	_ =	strace $0x90000049  }
0xb8: {  	s29 =	simm.s32 $0x9;
	_ =	strace $0x8000004B  }
0xb9: {  	_ =	swait.ge [sflag:s29], $0x1  }
0xba: {  	[sflag:s29] =	ssyncadd.s32 $0xFFFFFFFF  }
0xbb: {  	_ =	strace $0x9000004B  }
0xbc: {  	_ =	sfence  }
0xbd: {  	s30 =	sld [smem:$0x0];
	_ =	sdelay $0x2  }
0xbe: {  	s31 =	sshll.u32 s1, $0xD;
	s1 =	sshrl.u32 s1, $0x2  }
0xbf: {  	s3 =	sand.u32 $0x4000, s31;
	s1 =	sadd.s32 s1, s30  }
0xc0: {  	s0 =	sor.u32 s3, s0;
	s1 =	sshll.u32 s1, $0x11  }
0xc1: {  	s0 =	sor.u32 s1, s0  }
0xc2: {  	s0 =	sadd.s32 $0x8F2B, s0  }
0xc3: {  	[sflag:s0] =	ssyncadd.remote.s32 $0x1  }
0xc4: {  	_ =	sfence.sel $0xFFFF  }
0xc5: {  	[dreg:$0x0] =	wrdreg $0xFFFFFFFF;
	(pc) =	sbr.abs _section_cstart, $3  }
0xc6: {  	[dreg:$0x1] =	wrdreg $0xFFFFFFFF  }
0xc7: {  	_ =	task.clear_ibuf [dreg:s7], $0x2FFFF;
	_ =	strace $0x9FFFFFFF  }
0xc8: {  	(tm) =	ssettm $0x7FFFFFFF  }
0xc9: {  	_ =	shalt  }
tec
execute0_lowered:
.L_overlay_start_1:
0x0: {  	(tag) =	ssettag $0x1  }
0x1: {  	s0 =	rddreg [dreg:$0x0]  }
0x2: {  	s1 =	rddreg [dreg:$0x1]  }
0x3: {  	s2 =	srdreg.scid;
	s5 =	stileid.u32  }
0x4: {  	s9 =	simm.s32 $0x1;
	s20 =	simm.s32 $0x2;
	s21 =	simm.s32 $0x4  }
0x5: {  	s28 =	simm.s32 $0x2080;
	s29 =	simm.s32 $0x2880;
	s30 =	simm.s32 $0x3080  }
0x6: {  	s31 =	simm.s32 $0x3880;
	s10 =	simm.s32 $0x4080;
	s11 =	simm.s32 $0x5080  }
0x7: {  	s12 =	simm.s32 $0x5880;
	s13 =	simm.s32 $0x6080;
	s14 =	simm.s32 $0x6880  }
0x8: {  	s15 =	simm.s32 $0x7080;
	s16 =	simm.s32 $0x7880;
	s17 =	simm.s32 $0x8880  }
0x9: {  	s18 =	simm.s32 $0x9080;
	s19 =	simm.s32 $0x9880;
	s4 =	sand.u32 $0x1, s2  }
0xa: {  	s2 =	simm.s32 $0x0;
	s5 =	sshll.u32 s5, $0x7;
	s3 =	sshll.u32 s4, $0xB  }
0xb: {  	[smem:$0x7FF] =	sst s2;
	s4 =	ssub.s32 $0x2, s4;
	s5 =	sor.u32 s5, s3  }
0xc: {  	_ =	strace $0x8000004A;
	s3 =	sadd.s32 $0x2E0C00, s0;
	s7 =	sshrl.u32 s4, $0x1  }
0xd: {  	s6 =	sshrl.u32 s5, $0x3;
	s5 =	sshll.u32 s5, $0x7;
	s23 =	ssub.s32 s4, s7  }
0xe: {  	s7 =	sadd.s32 $0x2E0F00, s0;
	s6 =	sadd.s32 s6, s0;
	s8 =	sadd.s32 s1, s5  }
0xf: {  	s4 =	simm.s32 $0x3;
	s6 =	sadd.s32 $0x20A00, s6;
	[dreg:$0x7] =	wrdreg s8  }
0x10: {  	s5 =	sadd.s32 $0x2E0D00, s0;
	s24 =	sadd.s32 $0x1000, s8;
	[dreg:$0x3] =	wrdreg s6  }
0x11: {  	s25 =	sadd.s32 $0x2000, s8;
	s26 =	sadd.s32 $0x3000, s8;
	[dreg:$0x4] =	wrdreg s24  }
0x12: {  	v2 =	vlaneseq.u32;
	s8 =	smax.u32 s23, $0x1;
	s23 =	simm.s32 $0x880;
	[dreg:$0x5] =	wrdreg s25  }
0x13: {  	vm0 =	vmmov $0xffff;
	v1 =	vshrl.u32 v2, $0x3;
	s6 =	sadd.s32 $0x2E0E00, s0;
	[dreg:$0x6] =	wrdreg s26;
	s26 =	simm.s32 $0x80  }
0x14: {  	v0 =	vand.u32 $0x7, v2;
	v2 =	vor.u32 $0x8, v2;
	v1 =	vmul.u32 $0x8, v1;
	s24 =	simm.s32 $0x1080;
	s25 =	simm.s32 $0x1880;
	s0 =	simm.s32 $0x8080  }
.LBB2_1:
0x15: {  	s22 =	rddreg [dreg:$0x3]  }
0x16: {  	[tilespmem:s2], [sflag:$0x1] =	stream.linear.gather [hbm4b:s22+s2], $0x80, $0x38;
	[tilespmem:$0x10080] =	vst v63  }
0x17: {  	_ =	swait.ge [sflag:s9], $0x80  }
0x18: {  	[sflag:s9] =	ssyncset.done $0x0  }
0x19: {  	[sflag:s9] =	ssyncadd.s32 $0xFFFFFF80  }
0x1a: {  	v3 =	vld [tilespmem:$0x0];
	_ =	sdelay $0x4  }
0x1b: {  	v4 =	vshll.u32 v3, $0x3  }
0x1c: {  	v3 =	vand.u32 $0x7, v3;
	v4 =	vand.u32 $0xFFFFFFC0, v4  }
0x1d: {  	v3 =	vor.u32 v3, v4  }
0x1e: {  	v4 =	vperm.xlane v3, v0;
	_ =	sdelay $0x1  }
0x1f: {  	v4 =	vadd.s32 v1, v4;
	_ =	sdelay $0x4  }
0x20: {  	[tilespmem:s26], [sflag:$0x1] =	stream.indirect_vreg.gather [hbm4b:s3+s2], $0x80, v4, vm0, $0xb8;
	[tilespmem:$0x10080] =	vst v63  }
0x21: {  	v3 =	vperm.xlane v3, v2  }
0x22: {  	[tilespmem:s23], [sflag:$0x1] =	stream.indirect_vreg.gather [hbm4b:s5+s2], $0x80, v4, vm0, $0xb8;
	[tilespmem:$0x10080] =	vst v63  }
0x23: {  	v3 =	vadd.s32 v1, v3  }
0x24: {  	[tilespmem:s24], [sflag:$0x1] =	stream.indirect_vreg.gather [hbm4b:s6+s2], $0x80, v4, vm0, $0xb8;
	[tilespmem:$0x10080] =	vst v63  }
0x25: {  	_ = 	snop  }
0x26: {  	[tilespmem:s25], [sflag:$0x1] =	stream.indirect_vreg.gather [hbm4b:s7+s2], $0x80, v4, vm0, $0xb8;
	[tilespmem:$0x10080] =	vst v63  }
0x27: {  	_ = 	snop  }
0x28: {  	[tilespmem:s28], [sflag:$0x1] =	stream.indirect_vreg.gather [hbm4b:s3+s2], $0x80, v3, vm0, $0xb8;
	[tilespmem:$0x10080] =	vst v63  }
0x29: {  	_ = 	snop  }
0x2a: {  	[tilespmem:s29], [sflag:$0x1] =	stream.indirect_vreg.gather [hbm4b:s5+s2], $0x80, v3, vm0, $0xb8;
	[tilespmem:$0x10080] =	vst v63  }
0x2b: {  	_ = 	snop  }
0x2c: {  	[tilespmem:s30], [sflag:$0x1] =	stream.indirect_vreg.gather [hbm4b:s6+s2], $0x80, v3, vm0, $0xb8;
	[tilespmem:$0x10080] =	vst v63  }
0x2d: {  	_ = 	snop  }
0x2e: {  	[tilespmem:s31], [sflag:$0x1] =	stream.indirect_vreg.gather [hbm4b:s7+s2], $0x80, v3, vm0, $0xb8;
	[tilespmem:$0x10080] =	vst v63  }
0x2f: {  	v3 =	vld [tilespmem:$0x10];
	_ =	sdelay $0x4  }
0x30: {  	v57 =	vshll.u32 v3, $0x3  }
0x31: {  	v3 =	vand.u32 $0x7, v3;
	v4 =	vand.u32 $0xFFFFFFC0, v57  }
0x32: {  	v3 =	vor.u32 v3, v4  }
0x33: {  	v4 =	vperm.xlane v3, v0;
	_ =	sdelay $0x1  }
0x34: {  	v4 =	vadd.s32 v1, v4;
	_ =	sdelay $0x4  }
0x35: {  	[tilespmem:s10], [sflag:$0x1] =	stream.indirect_vreg.gather [hbm4b:s3+s2], $0x80, v4, vm0, $0xb8;
	[tilespmem:$0x10080] =	vst v63  }
0x36: {  	s1 =	simm.s32 $0x4880;
	v3 =	vperm.xlane v3, v2  }
0x37: {  	[tilespmem:s1], [sflag:$0x1] =	stream.indirect_vreg.gather [hbm4b:s5+s2], $0x80, v4, vm0, $0xb8;
	[tilespmem:$0x10080] =	vst v63  }
0x38: {  	v3 =	vadd.s32 v1, v3  }
0x39: {  	[tilespmem:s11], [sflag:$0x1] =	stream.indirect_vreg.gather [hbm4b:s6+s2], $0x80, v4, vm0, $0xb8;
	[tilespmem:$0x10080] =	vst v63  }
0x3a: {  	_ = 	snop  }
0x3b: {  	[tilespmem:s12], [sflag:$0x1] =	stream.indirect_vreg.gather [hbm4b:s7+s2], $0x80, v4, vm0, $0xb8;
	[tilespmem:$0x10080] =	vst v63  }
0x3c: {  	_ = 	snop  }
0x3d: {  	[tilespmem:s13], [sflag:$0x1] =	stream.indirect_vreg.gather [hbm4b:s3+s2], $0x80, v3, vm0, $0xb8;
	[tilespmem:$0x10080] =	vst v63  }
0x3e: {  	_ = 	snop  }
0x3f: {  	[tilespmem:s14], [sflag:$0x1] =	stream.indirect_vreg.gather [hbm4b:s5+s2], $0x80, v3, vm0, $0xb8;
	[tilespmem:$0x10080] =	vst v63  }
0x40: {  	_ = 	snop  }
0x41: {  	[tilespmem:s15], [sflag:$0x1] =	stream.indirect_vreg.gather [hbm4b:s6+s2], $0x80, v3, vm0, $0xb8;
	[tilespmem:$0x10080] =	vst v63  }
0x42: {  	_ = 	snop  }
0x43: {  	[tilespmem:s16], [sflag:$0x1] =	stream.indirect_vreg.gather [hbm4b:s7+s2], $0x80, v3, vm0, $0xb8;
	[tilespmem:$0x10080] =	vst v63  }
0x44: {  	v3 =	vld [tilespmem:$0x20];
	_ =	sdelay $0x4  }
0x45: {  	v58 =	vshll.u32 v3, $0x3  }
0x46: {  	v3 =	vand.u32 $0x7, v3;
	v4 =	vand.u32 $0xFFFFFFC0, v58  }
0x47: {  	v3 =	vor.u32 v3, v4  }
0x48: {  	v4 =	vperm.xlane v3, v0;
	_ =	sdelay $0x1  }
0x49: {  	v4 =	vadd.s32 v1, v4;
	_ =	sdelay $0x4  }
0x4a: {  	[tilespmem:s0], [sflag:$0x2] =	stream.indirect_vreg.gather [hbm4b:s3+s2], $0x80, v4, vm0, $0xb8;
	[tilespmem:$0x10080] =	vst v63  }
0x4b: {  	v3 =	vperm.xlane v3, v2  }
0x4c: {  	[tilespmem:s17], [sflag:$0x2] =	stream.indirect_vreg.gather [hbm4b:s5+s2], $0x80, v4, vm0, $0xb8;
	[tilespmem:$0x10080] =	vst v63  }
0x4d: {  	v3 =	vadd.s32 v1, v3  }
0x4e: {  	[tilespmem:s18], [sflag:$0x2] =	stream.indirect_vreg.gather [hbm4b:s6+s2], $0x80, v4, vm0, $0xb8;
	[tilespmem:$0x10080] =	vst v63  }
0x4f: {  	_ = 	snop  }
0x50: {  	[tilespmem:s19], [sflag:$0x2] =	stream.indirect_vreg.gather [hbm4b:s7+s2], $0x80, v4, vm0, $0xb8;
	[tilespmem:$0x10080] =	vst v63  }
0x51: {  	s22 =	simm.s32 $0xA080  }
0x52: {  	[tilespmem:s22], [sflag:$0x2] =	stream.indirect_vreg.gather [hbm4b:s3+s2], $0x80, v3, vm0, $0xb8;
	[tilespmem:$0x10080] =	vst v63  }
0x53: {  	s22 =	simm.s32 $0xA880  }
0x54: {  	[tilespmem:s22], [sflag:$0x2] =	stream.indirect_vreg.gather [hbm4b:s5+s2], $0x80, v3, vm0, $0xb8;
	[tilespmem:$0x10080] =	vst v63  }
0x55: {  	s22 =	simm.s32 $0xB080  }
0x56: {  	[tilespmem:s22], [sflag:$0x2] =	stream.indirect_vreg.gather [hbm4b:s6+s2], $0x80, v3, vm0, $0xb8;
	[tilespmem:$0x10080] =	vst v63  }
0x57: {  	s22 =	simm.s32 $0xB880  }
0x58: {  	[tilespmem:s22], [sflag:$0x2] =	stream.indirect_vreg.gather [hbm4b:s7+s2], $0x80, v3, vm0, $0xb8;
	[tilespmem:$0x10080] =	vst v63  }
0x59: {  	v3 =	vld [tilespmem:$0x30];
	_ =	sdelay $0x4  }
0x5a: {  	v59 =	vshll.u32 v3, $0x3  }
0x5b: {  	v3 =	vand.u32 $0x7, v3;
	v4 =	vand.u32 $0xFFFFFFC0, v59  }
0x5c: {  	v3 =	vor.u32 v3, v4  }
0x5d: {  	v4 =	vperm.xlane v3, v0;
	_ =	sdelay $0x1  }
0x5e: {  	v4 =	vadd.s32 v1, v4;
	_ =	sdelay $0x3  }
0x5f: {  	s22 =	simm.s32 $0xC080  }
0x60: {  	[tilespmem:s22], [sflag:$0x2] =	stream.indirect_vreg.gather [hbm4b:s3+s2], $0x80, v4, vm0, $0xb8;
	[tilespmem:$0x10080] =	vst v63  }
0x61: {  	v3 =	vperm.xlane v3, v2;
	s22 =	simm.s32 $0xC880  }
0x62: {  	[tilespmem:s22], [sflag:$0x2] =	stream.indirect_vreg.gather [hbm4b:s5+s2], $0x80, v4, vm0, $0xb8;
	[tilespmem:$0x10080] =	vst v63  }
0x63: {  	v3 =	vadd.s32 v1, v3;
	s22 =	simm.s32 $0xD080  }
0x64: {  	[tilespmem:s22], [sflag:$0x2] =	stream.indirect_vreg.gather [hbm4b:s6+s2], $0x80, v4, vm0, $0xb8;
	[tilespmem:$0x10080] =	vst v63  }
0x65: {  	s22 =	simm.s32 $0xD880  }
0x66: {  	[tilespmem:s22], [sflag:$0x2] =	stream.indirect_vreg.gather [hbm4b:s7+s2], $0x80, v4, vm0, $0xb8;
	[tilespmem:$0x10080] =	vst v63  }
0x67: {  	s22 =	simm.s32 $0xE080  }
0x68: {  	[tilespmem:s22], [sflag:$0x2] =	stream.indirect_vreg.gather [hbm4b:s3+s2], $0x80, v3, vm0, $0xb8;
	[tilespmem:$0x10080] =	vst v63  }
0x69: {  	s22 =	simm.s32 $0xE880  }
0x6a: {  	[tilespmem:s22], [sflag:$0x2] =	stream.indirect_vreg.gather [hbm4b:s5+s2], $0x80, v3, vm0, $0xb8;
	[tilespmem:$0x10080] =	vst v63  }
0x6b: {  	s22 =	simm.s32 $0xF080  }
0x6c: {  	[tilespmem:s22], [sflag:$0x2] =	stream.indirect_vreg.gather [hbm4b:s6+s2], $0x80, v3, vm0, $0xb8;
	[tilespmem:$0x10080] =	vst v63  }
0x6d: {  	s22 =	simm.s32 $0xF880  }
0x6e: {  	[tilespmem:s22], [sflag:$0x2] =	stream.indirect_vreg.gather [hbm4b:s7+s2], $0x80, v3, vm0, $0xb8;
	[tilespmem:$0x10080] =	vst v63  }
0x6f: {  	_ =	swait.ge [sflag:s9], $0x8000  }
0x70: {  	[sflag:s9] =	ssyncset.done $0x0  }
0x71: {  	s22 =	rddreg [dreg:$0x7];
	[sflag:s9] =	ssyncadd.s32 $0xFFFF8000  }
0x72: {  	[hbm4b:s22+s2] =	stream.linear.scatter [tilespmem:s26], [sflag:$0x3], $0x8000, $0x38;
	[tilespmem:$0x10080] =	vst v63  }
0x73: {  	_ =	swait.ge [sflag:s20], $0x8000  }
0x74: {  	[sflag:s20] =	ssyncset.done $0x0  }
0x75: {  	s22 =	rddreg [dreg:$0x4];
	[sflag:s20] =	ssyncadd.s32 $0xFFFF8000  }
0x76: {  	[hbm4b:s22+s2] =	stream.linear.scatter [tilespmem:s0], [sflag:$0x4], $0x8000, $0x38;
	[tilespmem:$0x10080] =	vst v63  }
0x77: {  	_ =	swait.ge [sflag:s4], $0x8000  }
0x78: {  	[sflag:s4] =	ssyncset.done $0x0  }
0x79: {  	[sflag:s4] =	ssyncadd.s32 $0xFFFF8000  }
0x7a: {  	v3 =	vld [tilespmem:$0x40];
	_ =	sdelay $0x4  }
0x7b: {  	v60 =	vshll.u32 v3, $0x3  }
0x7c: {  	v3 =	vand.u32 $0x7, v3;
	v4 =	vand.u32 $0xFFFFFFC0, v60  }
0x7d: {  	v3 =	vor.u32 v3, v4  }
0x7e: {  	v4 =	vperm.xlane v3, v0;
	_ =	sdelay $0x1  }
0x7f: {  	v4 =	vadd.s32 v1, v4;
	_ =	sdelay $0x4  }
0x80: {  	[tilespmem:s26], [sflag:$0x1] =	stream.indirect_vreg.gather [hbm4b:s3+s2], $0x80, v4, vm0, $0xb8;
	[tilespmem:$0x10080] =	vst v63  }
0x81: {  	v3 =	vperm.xlane v3, v2  }
0x82: {  	[tilespmem:s23], [sflag:$0x1] =	stream.indirect_vreg.gather [hbm4b:s5+s2], $0x80, v4, vm0, $0xb8;
	[tilespmem:$0x10080] =	vst v63  }
0x83: {  	v3 =	vadd.s32 v1, v3  }
0x84: {  	[tilespmem:s24], [sflag:$0x1] =	stream.indirect_vreg.gather [hbm4b:s6+s2], $0x80, v4, vm0, $0xb8;
	[tilespmem:$0x10080] =	vst v63  }
0x85: {  	_ = 	snop  }
0x86: {  	[tilespmem:s25], [sflag:$0x1] =	stream.indirect_vreg.gather [hbm4b:s7+s2], $0x80, v4, vm0, $0xb8;
	[tilespmem:$0x10080] =	vst v63  }
0x87: {  	_ = 	snop  }
0x88: {  	[tilespmem:s28], [sflag:$0x1] =	stream.indirect_vreg.gather [hbm4b:s3+s2], $0x80, v3, vm0, $0xb8;
	[tilespmem:$0x10080] =	vst v63  }
0x89: {  	_ = 	snop  }
0x8a: {  	[tilespmem:s29], [sflag:$0x1] =	stream.indirect_vreg.gather [hbm4b:s5+s2], $0x80, v3, vm0, $0xb8;
	[tilespmem:$0x10080] =	vst v63  }
0x8b: {  	_ = 	snop  }
0x8c: {  	[tilespmem:s30], [sflag:$0x1] =	stream.indirect_vreg.gather [hbm4b:s6+s2], $0x80, v3, vm0, $0xb8;
	[tilespmem:$0x10080] =	vst v63  }
0x8d: {  	_ = 	snop  }
0x8e: {  	[tilespmem:s31], [sflag:$0x1] =	stream.indirect_vreg.gather [hbm4b:s7+s2], $0x80, v3, vm0, $0xb8;
	[tilespmem:$0x10080] =	vst v63  }
0x8f: {  	v3 =	vld [tilespmem:$0x50];
	_ =	sdelay $0x4  }
0x90: {  	v61 =	vshll.u32 v3, $0x3  }
0x91: {  	v3 =	vand.u32 $0x7, v3;
	v4 =	vand.u32 $0xFFFFFFC0, v61  }
0x92: {  	v3 =	vor.u32 v3, v4  }
0x93: {  	v4 =	vperm.xlane v3, v0;
	_ =	sdelay $0x1  }
0x94: {  	v4 =	vadd.s32 v1, v4;
	_ =	sdelay $0x4  }
0x95: {  	[tilespmem:s10], [sflag:$0x1] =	stream.indirect_vreg.gather [hbm4b:s3+s2], $0x80, v4, vm0, $0xb8;
	[tilespmem:$0x10080] =	vst v63  }
0x96: {  	v3 =	vperm.xlane v3, v2  }
0x97: {  	[tilespmem:s1], [sflag:$0x1] =	stream.indirect_vreg.gather [hbm4b:s5+s2], $0x80, v4, vm0, $0xb8;
	[tilespmem:$0x10080] =	vst v63  }
0x98: {  	v3 =	vadd.s32 v1, v3  }
0x99: {  	[tilespmem:s11], [sflag:$0x1] =	stream.indirect_vreg.gather [hbm4b:s6+s2], $0x80, v4, vm0, $0xb8;
	[tilespmem:$0x10080] =	vst v63  }
0x9a: {  	_ = 	snop  }
0x9b: {  	[tilespmem:s12], [sflag:$0x1] =	stream.indirect_vreg.gather [hbm4b:s7+s2], $0x80, v4, vm0, $0xb8;
	[tilespmem:$0x10080] =	vst v63  }
0x9c: {  	_ = 	snop  }
0x9d: {  	[tilespmem:s13], [sflag:$0x1] =	stream.indirect_vreg.gather [hbm4b:s3+s2], $0x80, v3, vm0, $0xb8;
	[tilespmem:$0x10080] =	vst v63  }
0x9e: {  	_ = 	snop  }
0x9f: {  	[tilespmem:s14], [sflag:$0x1] =	stream.indirect_vreg.gather [hbm4b:s5+s2], $0x80, v3, vm0, $0xb8;
	[tilespmem:$0x10080] =	vst v63  }
0xa0: {  	_ = 	snop  }
0xa1: {  	[tilespmem:s15], [sflag:$0x1] =	stream.indirect_vreg.gather [hbm4b:s6+s2], $0x80, v3, vm0, $0xb8;
	[tilespmem:$0x10080] =	vst v63  }
0xa2: {  	_ = 	snop  }
0xa3: {  	[tilespmem:s16], [sflag:$0x1] =	stream.indirect_vreg.gather [hbm4b:s7+s2], $0x80, v3, vm0, $0xb8;
	[tilespmem:$0x10080] =	vst v63  }
0xa4: {  	_ =	swait.ge [sflag:s9], $0x8000  }
0xa5: {  	[sflag:s9] =	ssyncset.done $0x0  }
0xa6: {  	s1 =	rddreg [dreg:$0x5];
	[sflag:s9] =	ssyncadd.s32 $0xFFFF8000  }
0xa7: {  	[hbm4b:s1+s2] =	stream.linear.scatter [tilespmem:s26], [sflag:$0x3], $0x8000, $0x38;
	[tilespmem:$0x10080] =	vst v63  }
0xa8: {  	_ =	swait.ge [sflag:s21], $0x8000  }
0xa9: {  	[sflag:s21] =	ssyncset.done $0x0  }
0xaa: {  	[sflag:s21] =	ssyncadd.s32 $0xFFFF8000  }
0xab: {  	v3 =	vld [tilespmem:$0x60];
	_ =	sdelay $0x4  }
0xac: {  	v62 =	vshll.u32 v3, $0x3  }
0xad: {  	v3 =	vand.u32 $0x7, v3;
	v4 =	vand.u32 $0xFFFFFFC0, v62  }
0xae: {  	v3 =	vor.u32 v3, v4  }
0xaf: {  	v4 =	vperm.xlane v3, v0;
	_ =	sdelay $0x1  }
0xb0: {  	v4 =	vadd.s32 v1, v4;
	_ =	sdelay $0x4  }
0xb1: {  	[tilespmem:s0], [sflag:$0x2] =	stream.indirect_vreg.gather [hbm4b:s3+s2], $0x80, v4, vm0, $0xb8;
	[tilespmem:$0x10080] =	vst v63  }
0xb2: {  	v3 =	vperm.xlane v3, v2  }
0xb3: {  	[tilespmem:s17], [sflag:$0x2] =	stream.indirect_vreg.gather [hbm4b:s5+s2], $0x80, v4, vm0, $0xb8;
	[tilespmem:$0x10080] =	vst v63  }
0xb4: {  	v3 =	vadd.s32 v1, v3  }
0xb5: {  	[tilespmem:s18], [sflag:$0x2] =	stream.indirect_vreg.gather [hbm4b:s6+s2], $0x80, v4, vm0, $0xb8;
	[tilespmem:$0x10080] =	vst v63  }
0xb6: {  	_ = 	snop  }
0xb7: {  	[tilespmem:s19], [sflag:$0x2] =	stream.indirect_vreg.gather [hbm4b:s7+s2], $0x80, v4, vm0, $0xb8;
	[tilespmem:$0x10080] =	vst v63  }
0xb8: {  	s22 =	simm.s32 $0xA080  }
0xb9: {  	[tilespmem:s22], [sflag:$0x2] =	stream.indirect_vreg.gather [hbm4b:s3+s2], $0x80, v3, vm0, $0xb8;
	[tilespmem:$0x10080] =	vst v63  }
0xba: {  	s22 =	simm.s32 $0xA880  }
0xbb: {  	[tilespmem:s22], [sflag:$0x2] =	stream.indirect_vreg.gather [hbm4b:s5+s2], $0x80, v3, vm0, $0xb8;
	[tilespmem:$0x10080] =	vst v63  }
0xbc: {  	s22 =	simm.s32 $0xB080  }
0xbd: {  	[tilespmem:s22], [sflag:$0x2] =	stream.indirect_vreg.gather [hbm4b:s6+s2], $0x80, v3, vm0, $0xb8;
	[tilespmem:$0x10080] =	vst v63  }
0xbe: {  	s22 =	simm.s32 $0xB880  }
0xbf: {  	[tilespmem:s22], [sflag:$0x2] =	stream.indirect_vreg.gather [hbm4b:s7+s2], $0x80, v3, vm0, $0xb8;
	[tilespmem:$0x10080] =	vst v63  }
0xc0: {  	v3 =	vld [tilespmem:$0x70];
	_ =	sdelay $0x4  }
0xc1: {  	v63 =	vshll.u32 v3, $0x3  }
0xc2: {  	v3 =	vand.u32 $0x7, v3;
	v4 =	vand.u32 $0xFFFFFFC0, v63  }
0xc3: {  	v3 =	vor.u32 v3, v4  }
0xc4: {  	v4 =	vperm.xlane v3, v0;
	_ =	sdelay $0x1  }
0xc5: {  	v4 =	vadd.s32 v1, v4;
	_ =	sdelay $0x3  }
0xc6: {  	s22 =	simm.s32 $0xC080  }
0xc7: {  	[tilespmem:s22], [sflag:$0x2] =	stream.indirect_vreg.gather [hbm4b:s3+s2], $0x80, v4, vm0, $0xb8;
	[tilespmem:$0x10080] =	vst v63  }
0xc8: {  	v3 =	vperm.xlane v3, v2;
	s22 =	simm.s32 $0xC880  }
0xc9: {  	[tilespmem:s22], [sflag:$0x2] =	stream.indirect_vreg.gather [hbm4b:s5+s2], $0x80, v4, vm0, $0xb8;
	[tilespmem:$0x10080] =	vst v63  }
0xca: {  	v3 =	vadd.s32 v1, v3;
	s22 =	simm.s32 $0xD080  }
0xcb: {  	[tilespmem:s22], [sflag:$0x2] =	stream.indirect_vreg.gather [hbm4b:s6+s2], $0x80, v4, vm0, $0xb8;
	[tilespmem:$0x10080] =	vst v63  }
0xcc: {  	s22 =	simm.s32 $0xD880  }
0xcd: {  	[tilespmem:s22], [sflag:$0x2] =	stream.indirect_vreg.gather [hbm4b:s7+s2], $0x80, v4, vm0, $0xb8;
	[tilespmem:$0x10080] =	vst v63  }
0xce: {  	s22 =	simm.s32 $0xE080  }
0xcf: {  	[tilespmem:s22], [sflag:$0x2] =	stream.indirect_vreg.gather [hbm4b:s3+s2], $0x80, v3, vm0, $0xb8;
	[tilespmem:$0x10080] =	vst v63  }
0xd0: {  	s22 =	simm.s32 $0xE880  }
0xd1: {  	[tilespmem:s22], [sflag:$0x2] =	stream.indirect_vreg.gather [hbm4b:s5+s2], $0x80, v3, vm0, $0xb8;
	[tilespmem:$0x10080] =	vst v63  }
0xd2: {  	s22 =	simm.s32 $0xF080  }
0xd3: {  	[tilespmem:s22], [sflag:$0x2] =	stream.indirect_vreg.gather [hbm4b:s6+s2], $0x80, v3, vm0, $0xb8;
	[tilespmem:$0x10080] =	vst v63  }
0xd4: {  	s22 =	simm.s32 $0xF880  }
0xd5: {  	[tilespmem:s22], [sflag:$0x2] =	stream.indirect_vreg.gather [hbm4b:s7+s2], $0x80, v3, vm0, $0xb8;
	[tilespmem:$0x10080] =	vst v63  }
0xd6: {  	_ =	swait.ge [sflag:s20], $0x8000  }
0xd7: {  	[sflag:s20] =	ssyncset.done $0x0  }
0xd8: {  	s1 =	rddreg [dreg:$0x6];
	[sflag:s20] =	ssyncadd.s32 $0xFFFF8000  }
0xd9: {  	[hbm4b:s1+s2] =	stream.linear.scatter [tilespmem:s0], [sflag:$0x4], $0x8000, $0x38;
	[tilespmem:$0x10080] =	vst v63  }
0xda: {  	p0 =	sne.s32 s8, $0x1;
	_ =	swait.ge [sflag:s4], $0x8000  }
.Ltmp0:
0xdb: {  	[sflag:s4] =	ssyncset.done $0x0;
	(pc) =	sbr.rel @p0 .LBB2_1-.Ltmp0, $4  }
0xdc: {  	[sflag:s4] =	ssyncadd.s32 $0xFFFF8000  }
0xdd: {  	_ =	swait.ge [sflag:s21], $0x8000  }
0xde: {  	[sflag:s21] =	ssyncset.done $0x0  }
0xdf: {  	s8 =	sadd.s32 $0xFFFFFFFF, s8;
	[sflag:s21] =	ssyncadd.s32 $0xFFFF8000  }
0xe0: {  	_ =	sfence.sel $0x180000  }
0xe1: {  	[bflag:$0x0] =	sbarrier.arrive $0xFFFF  }
0xe2: {  	_ =	strace $0x9000004A  }
0xe3: {  	s0 =	stileid.u32;
	[bflag:$0x2] =	sbarrier.arrive $0xFFFF  }
0xe4: {  	p0 =	sne.s32 s0, $0x0;
	s0 =	rddreg [dreg:$0x2]  }
0xe5: {  	s0 =	sadd.s32 @!p0 $0x100000, s0  }
0xe6: {  	[sflag:s0] =	ssyncadd.tile.s32 @!p0 $0x1;
	_ =	shalt  }
.Lfunc_end2:
_tile_overlayer_lowered:
.L_overlay_start_2:
0xe7: {  	(tag) =	ssettag $0x2  }
0xe8: {  	s0 =	rddreg [dreg:$0x0];
	s2 =	stileid.u32  }
0xe9: {  	s1 =	rddreg [dreg:$0x1];
	p0 =	sne.s32 s2, $0x0  }
0xea: {  	s3 =	rddreg [dreg:$0x2];
	[bflag:$0x3] =	sbarrier.arrive $0xFFFF;
	s2 =	simm.s32 @!p0 $0x1C05  }
0xeb: {  	[timem:s3], [sflag:s2] =	dma.local @!p0 [hbm:s0], s1  }
0xec: {  	s0 =	simm.s32 @!p0 $0x5  }
0xed: {  	_ =	swait.ge @!p0 [sflag:s0], s1  }
0xee: {  	s1 =	ssub.s32 @!p0 $0x0, s1;
	[sflag:s0] =	ssyncset.done @!p0 $0x0  }
0xef: {  	[sflag:s0] =	ssyncadd.s32 @!p0 s1  }
0xf0: {  	[bflag:$0x3] =	sbarrier.arrive $0xFFFF  }
0xf1: {  	_ =	shalt  }

// kernel: kernel.7.cloned.1.call-start
scs
__scs_entry_jumppad:
0x0: {  	(pc) =	sbr.rel $0x88, $3  }
0x1: {  	(tag) =	ssettag $0x0;
	lr =	simm.s32 $0x1  }
0x2: {  	[smem:$0x3F96] =	sst lr;
	_ =	strace $0xD0000000  }
0x3: {  	_ = 	snop  }
0x4: {  	_ = 	snop  }
0x5: {  	_ = 	snop  }
0x6: {  	_ = 	snop  }
0x7: {  	_ = 	snop  }
__scs_overlays_trampoline_lowered:
0x8: {  	[smem:$0x3FA5] =	sst s0  }
0x9: {  	[smem:$0x3FA6] =	sst s1  }
0xa: {  	[smem:$0x3FA7] =	sst s2  }
0xb: {  	[smem:$0x3FA8] =	sst s3  }
0xc: {  	[smem:$0x3FA9] =	sst s4  }
0xd: {  	[smem:$0x3FAA] =	sst s5  }
0xe: {  	[smem:$0x3FAB] =	sst s6  }
0xf: {  	[smem:$0x3FAC] =	sst s7  }
0x10: {  	[smem:$0x3FAD] =	sst s8  }
0x11: {  	[smem:$0x3FAE] =	sst s9;
	s0 =	simm.s32 @!p0 $0x0  }
0x12: {  	s1 =	sld [smem:$0x3F94];
	s0 =	simm.s32 @p0 $0x1  }
0x13: {  	[smem:$0x3FAF] =	sst s0;
	s0 =	simm.s32 @!p1 $0x0  }
0x14: {  	s2 =	sld [smem:$0x3F93];
	s0 =	simm.s32 @p1 $0x1  }
0x15: {  	[smem:$0x3FB0] =	sst s0;
	s0 =	simm.s32 @!p2 $0x0  }
0x16: {  	s3 =	sld [smem:$0x3FDB];
	s0 =	simm.s32 @p2 $0x1  }
0x17: {  	s4 =	simm.s32 $0x1BF5;
	[smem:$0x3FB2] =	sst s0  }
0x18: {  	s0 =	sld [smem:$0x3F95];
	_ =	swait.ge [sflag:s4], $0x0  }
0x19: {  	s7 =	sld [smem:$0x3F96]  }
0x1a: {  	s8 =	sadd.s32 $0xFFFFE003, lr  }
0x1b: {  	s9 =	sadd.s32 $0xFFFFFEF7, lr;
	s5 =	simm.s32 $0xFFFFFFFF;
	p2 =	slt.u32 s8, $0xFFFFF086  }
0x1c: {  	p1 =	slt.u32 s9, $0xF7A;
	s5 =	simm.s32 @!p2 $0x0  }
0x1d: {  	s5 =	simm.s32 @p1 $0x1;
	p0 =	seq.s32 s7, s2  }
0x1e: {  	s7 =	smul.u32 @!p0 $0xF7A, s2;
	p2 =	seq.s32 @!p0 s5, $0x0  }
0x1f: {  	s9 =	smul.u32 $0xF7A, s1;
	s8 =	simm.s32 @!p0 $0x1BF5;
	p2 =	por !p2, p0  }
0x20: {  	[sflag:s8] =	ssyncset.s32 @!p0 $0xFFFFF086;
	s6 =	sadd.s32 @!p0 s3, s7;
	s7 =	simm.s32 @!p0 $0x108  }
0x21: {  	s3 =	sadd.s32 s3, s9;
	s6 =	sadd.s32 @!p0 $0x88, s6;
	s7 =	simm.s32 @p2 $0x1082  }
0x22: {  	[simem:s7], [sflag:s8] =	dma.local @!p0 [hbm:s6], $0xF7A  }
0x23: {  	s9 =	sor.u32 $0xD0000000, s2;
	s6 =	simm.s32 $0x108;
	_ =	swait.ge @!p0 [sflag:s8], $0x0  }
0x24: {  	s3 =	sadd.s32 $0x88, s3;
	s6 =	simm.s32 @!p1 $0x1082;
	[sflag:s4] =	ssyncset.s32 $0xFFFFF086  }
0x25: {  	[simem:s6], [sflag:s4] =	dma.local [hbm:s3], $0xF7A  }
0x26: {  	[smem:$0x3F96] =	sst s1;
	(tag) =	ssettag s2;
	_ =	strace s9  }
0x27: {  	s1 =	sld [smem:$0x3FA6]  }
0x28: {  	s2 =	sld [smem:$0x3FA7]  }
0x29: {  	s4 =	sld [smem:$0x3FA9]  }
0x2a: {  	p0 =	seq.s32 s5, $0x0;
	s5 =	sld [smem:$0x3FAA]  }
0x2b: {  	s6 =	sld [smem:$0x3FAB]  }
0x2c: {  	s7 =	sld [smem:$0x3FAC]  }
0x2d: {  	s3 =	simm.s32 $0x108;
	s8 =	sld [smem:$0x3FAD]  }
0x2e: {  	s3 =	simm.s32 @!p0 $0x1082;
	s9 =	sld [smem:$0x3FAE]  }
0x2f: {  	lr =	sadd.s32 s0, s3;
	s0 =	sld [smem:$0x3FA5]  }
0x30: {  	s3 =	sld [smem:$0x3FA8]  }
0x31: {  	[smem:$0x3FB1] =	sst s10  }
0x32: {  	s10 =	sld [smem:$0x3FAF];
	_ =	sdelay $0x3  }
0x33: {  	p0 =	seq.s32 s10, $0x1;
	s10 =	sld [smem:$0x3FB1];
	_ =	sdelay $0x3  }
0x34: {  	[smem:$0x3FB1] =	sst s10  }
0x35: {  	s10 =	sld [smem:$0x3FB0];
	_ =	sdelay $0x3  }
0x36: {  	p1 =	seq.s32 s10, $0x1;
	s10 =	sld [smem:$0x3FB1];
	_ =	sdelay $0x3  }
0x37: {  	[smem:$0x3FB1] =	sst s10  }
0x38: {  	s10 =	sld [smem:$0x3FB2]  }
0x39: {  	_ = 	snop;
	(pc) =	sbr.ind lr, $3  }
0x3a: {  	_ = 	snop  }
0x3b: {  	_ = 	snop  }
0x3c: {  	p2 =	seq.s32 s10, $0x1;
	s10 =	sld [smem:$0x3FB1]  }
0x3d: {  	_ =	shalt  }
0x3e: {  	_ =	shalt  }
0x3f: {  	_ =	shalt  }
0x40: {  	_ =	shalt  }
0x41: {  	_ =	shalt  }
0x42: {  	_ =	shalt  }
0x43: {  	_ =	shalt  }
0x44: {  	_ =	shalt  }
0x45: {  	_ =	shalt  }
0x46: {  	_ =	shalt  }
0x47: {  	_ =	shalt  }
0x48: {  	_ =	shalt  }
0x49: {  	_ =	shalt  }
0x4a: {  	_ =	shalt  }
0x4b: {  	_ =	shalt  }
0x4c: {  	_ =	shalt  }
0x4d: {  	_ =	shalt  }
0x4e: {  	_ =	shalt  }
0x4f: {  	_ =	shalt  }
0x50: {  	_ =	shalt  }
0x51: {  	_ =	shalt  }
0x52: {  	_ =	shalt  }
0x53: {  	_ =	shalt  }
0x54: {  	_ =	shalt  }
0x55: {  	_ =	shalt  }
0x56: {  	_ =	shalt  }
0x57: {  	_ =	shalt  }
0x58: {  	_ =	shalt  }
0x59: {  	_ =	shalt  }
0x5a: {  	_ =	shalt  }
0x5b: {  	_ =	shalt  }
0x5c: {  	_ =	shalt  }
0x5d: {  	_ =	shalt  }
0x5e: {  	_ =	shalt  }
0x5f: {  	_ =	shalt  }
0x60: {  	_ =	shalt  }
0x61: {  	_ =	shalt  }
0x62: {  	_ =	shalt  }
0x63: {  	_ =	shalt  }
0x64: {  	_ =	shalt  }
0x65: {  	_ =	shalt  }
0x66: {  	_ =	shalt  }
0x67: {  	_ =	shalt  }
0x68: {  	_ =	shalt  }
0x69: {  	_ =	shalt  }
0x6a: {  	_ =	shalt  }
0x6b: {  	_ =	shalt  }
0x6c: {  	_ =	shalt  }
0x6d: {  	_ =	shalt  }
0x6e: {  	_ =	shalt  }
0x6f: {  	_ =	shalt  }
0x70: {  	_ =	shalt  }
0x71: {  	_ =	shalt  }
0x72: {  	_ =	shalt  }
0x73: {  	_ =	shalt  }
0x74: {  	_ =	shalt  }
0x75: {  	_ =	shalt  }
0x76: {  	_ =	shalt  }
0x77: {  	_ =	shalt  }
0x78: {  	_ =	shalt  }
0x79: {  	_ =	shalt  }
0x7a: {  	_ =	shalt  }
0x7b: {  	_ =	shalt  }
0x7c: {  	_ =	shalt  }
0x7d: {  	_ =	shalt  }
0x7e: {  	_ =	shalt  }
0x7f: {  	_ =	shalt  }
0x80: {  	_ =	shalt  }
0x81: {  	_ =	shalt  }
0x82: {  	_ =	shalt  }
0x83: {  	_ =	shalt  }
0x84: {  	_ =	shalt  }
0x85: {  	_ =	shalt  }
0x86: {  	_ =	shalt  }
0x87: {  	_ =	shalt  }
.Lfunc_end0:
.L_simem_size_0:
called_computation_lowered:
.L_overlay_start_0:
0x88: {  	s2 =	sld [smem:$0x3FD9]  }
0x89: {  	s3 =	sld [smem:$0x3FFE];
	_ =	sdelay $0x1  }
0x8a: {  	s1 =	srdreg.scid  }
0x8b: {  	s0 =	sand.u32 $0x1, s1  }
0x8c: {  	s17 =	sshll.u32 s0, $0xA;
	s2 =	sadd.s32 s3, s2  }
0x8d: {  	s2 =	sadd.s32 s2, s17  }
0x8e: {  	[smem:$0x3FBD] =	sst s2  }
0x8f: {  	_ = 	snop  }
0x90: {  	s2 =	sld [smem:$0x3FC9];
	(tm) =	ssettm $0x1  }
0x91: {  	s18 =	sld [smem:$0x3FFB];
	_ =	sdelay $0x3  }
0x92: {  	_ =	strace s18  }
0x93: {  	s3 =	sld [smem:$0x3FFC];
	_ =	sdelay $0x3  }
0x94: {  	_ =	strace s3  }
0x95: {  	s3 =	sld [smem:$0x3FFD];
	_ =	sdelay $0x3  }
0x96: {  	_ =	strace s3  }
0x97: {  	_ =	strace $0x8FFFFFFF  }
0x98: {  	s19 =	sld [smem:$0x3FDB];
	_ =	sdelay $0x1  }
0x99: {  	s4 =	simm.s32 $_scs_section_size  }
0x9a: {  	s5 =	simm.s32 $_size__tile_overlayer_lowered;
	s6 =	simm.s32 $_tile_overlayer_lowered  }
0x9b: {  	s22 =	simm.s32 $0x1BFF;
	s21 =	sshll.u32 s6, $0x1;
	s3 =	sadd.s32 s4, s19  }
0x9c: {  	s7 =	simm.s32 $0x0;
	s20 =	sshll.u32 s5, $0x1;
	s5 =	sadd.s32 s21, s3  }
0x9d: {  	[timem:s7], [sflag:s22] =	dma.local [hbm:s5], s20  }
0x9e: {  	_ =	swait.ge [sflag:s22], s20  }
0x9f: {  	s4 =	ssub.s32 $0x0, s20;
	[sflag:s22] =	ssyncset.done $0x0  }
0xa0: {  	[sflag:s22] =	ssyncadd.s32 s4;
	_ =	sdelay $0x1  }
0xa1: {  	s23 =	simm.s32 $0x1B8B  }
0xa2: {  	_ =	swait.ge [sflag:s23], $0x1  }
0xa3: {  	[sflag:s23] =	ssyncset.done $0x0  }
0xa4: {  	s25 =	simm.s32 $0x1B8E;
	s24 =	sld [smem:$0x3FFE];
	[sflag:s23] =	ssyncadd.s32 $0xFFFFFFFF  }
0xa5: {  	s26 =	simm.s32 $execute0_lowered;
	[smem:$0x3FD2] =	sst s25  }
0xa6: {  	s5 =	sshll.u32 s26, $0x1;
	_ =	strace $0x80000046;
	[dreg:$0x1] =	wrdreg $0xFFFFFFFF  }
0xa7: {  	s28 =	simm.s32 $_size_execute0_lowered;
	s3 =	sadd.s32 s3, s5;
	[dreg:$0x0] =	wrdreg $0x0  }
0xa8: {  	s5 =	sshll.u32 s28, $0x1;
	[dreg:$0x2] =	wrdreg s3  }
0xa9: {  	[dreg:$0x3] =	wrdreg s5  }
0xaa: {  	[dreg:$0x4] =	wrdreg $0xC0  }
0xab: {  	_ =	task [dreg:s7], $0x5FFFF  }
0xac: {  	[dreg:$0x1] =	wrdreg $0xFFFFFFFF  }
0xad: {  	[dreg:$0x0] =	wrdreg $0x60  }
0xae: {  	[dreg:$0x2] =	wrdreg s2  }
0xaf: {  	[dreg:$0x3] =	wrdreg s24  }
0xb0: {  	[dreg:$0x4] =	wrdreg $0x9  }
0xb1: {  	_ =	task.clear_ibuf [dreg:s7], $0x5FFFF;
	_ =	strace $0x90000046  }
0xb2: {  	s29 =	simm.s32 $0x9;
	_ =	strace $0x80000048  }
0xb3: {  	_ =	swait.ge [sflag:s29], $0x1  }
0xb4: {  	[sflag:s29] =	ssyncadd.s32 $0xFFFFFFFF  }
0xb5: {  	_ =	strace $0x90000048  }
0xb6: {  	_ =	sfence  }
0xb7: {  	s30 =	sld [smem:$0x0];
	_ =	sdelay $0x2  }
0xb8: {  	s31 =	sshll.u32 s1, $0xD;
	s1 =	sshrl.u32 s1, $0x2  }
0xb9: {  	s3 =	sand.u32 $0x4000, s31;
	s1 =	sadd.s32 s1, s30  }
0xba: {  	s0 =	sor.u32 s3, s0;
	s1 =	sshll.u32 s1, $0x11  }
0xbb: {  	s0 =	sor.u32 s1, s0  }
0xbc: {  	s0 =	sadd.s32 $0x8F2B, s0  }
0xbd: {  	[sflag:s0] =	ssyncadd.remote.s32 $0x1  }
0xbe: {  	_ =	sfence.sel $0xFFFF  }
0xbf: {  	[dreg:$0x0] =	wrdreg $0xFFFFFFFF;
	(pc) =	sbr.abs _section_cstart, $3  }
0xc0: {  	[dreg:$0x1] =	wrdreg $0xFFFFFFFF  }
0xc1: {  	_ =	task.clear_ibuf [dreg:s7], $0x2FFFF;
	_ =	strace $0x9FFFFFFF  }
0xc2: {  	(tm) =	ssettm $0x7FFFFFFF  }
0xc3: {  	_ =	shalt  }
tec
execute0_lowered:
.L_overlay_start_1:
0x0: {  	(tag) =	ssettag $0x1  }
0x1: {  	s0 =	srdreg.scid;
	s1 =	rddreg [dreg:$0x0]  }
0x2: {  	s2 =	stileid.u32;
	s4 =	rddreg [dreg:$0x1];
	s9 =	simm.s32 $0x1  }
0x3: {  	s21 =	simm.s32 $0x3;
	s22 =	simm.s32 $0x4;
	s11 =	simm.s32 $0x80  }
0x4: {  	s28 =	simm.s32 $0x8080;
	s29 =	simm.s32 $0x2080;
	s30 =	simm.s32 $0x2880  }
0x5: {  	s31 =	simm.s32 $0x3080;
	s12 =	simm.s32 $0x4880;
	s13 =	simm.s32 $0x5080  }
0x6: {  	s14 =	simm.s32 $0x5880;
	s15 =	simm.s32 $0x6080;
	s16 =	simm.s32 $0x6880  }
0x7: {  	s17 =	simm.s32 $0x7080;
	s18 =	simm.s32 $0x7880;
	s19 =	simm.s32 $0x8880  }
0x8: {  	s0 =	sand.u32 $0x1, s0;
	s5 =	sshll.u32 s2, $0x7;
	s2 =	simm.s32 $0x0  }
0x9: {  	s20 =	simm.s32 $0x9080;
	s3 =	sshll.u32 s0, $0xB;
	[smem:$0x7FF] =	sst s2  }
0xa: {  	s0 =	ssub.s32 $0x2, s0;
	s5 =	sor.u32 s5, s3;
	_ =	strace $0x80000047  }
0xb: {  	s7 =	sshrl.u32 s0, $0x1;
	s3 =	sshrl.u32 s5, $0x3;
	s5 =	sshll.u32 s5, $0x7  }
0xc: {  	s0 =	ssub.s32 s0, s7;
	s6 =	sadd.s32 s3, s4;
	s8 =	sadd.s32 s1, s5  }
0xd: {  	s7 =	sadd.s32 $0x20F00, s4;
	s6 =	sadd.s32 $0x20A00, s6;
	[dreg:$0x7] =	wrdreg s8  }
0xe: {  	s3 =	sadd.s32 $0x20C00, s4;
	s1 =	sadd.s32 $0x1000, s8;
	[dreg:$0x3] =	wrdreg s6  }
0xf: {  	s5 =	sadd.s32 $0x20D00, s4;
	s25 =	sadd.s32 $0x2000, s8;
	[dreg:$0x4] =	wrdreg s1  }
0x10: {  	v2 =	vlaneseq.u32;
	s26 =	sadd.s32 $0x3000, s8;
	s8 =	smax.u32 s0, $0x1;
	[dreg:$0x5] =	wrdreg s25  }
0x11: {  	vm0 =	vmmov $0xffff;
	v1 =	vshrl.u32 v2, $0x3;
	s6 =	sadd.s32 $0x20E00, s4;
	[dreg:$0x6] =	wrdreg s26;
	s25 =	simm.s32 $0x1080  }
0x12: {  	v0 =	vand.u32 $0x7, v2;
	v2 =	vor.u32 $0x8, v2;
	v1 =	vmul.u32 $0x8, v1;
	s26 =	simm.s32 $0x1880;
	s1 =	simm.s32 $0x3880;
	s4 =	simm.s32 $0x4080  }
.LBB2_1:
0x13: {  	s23 =	rddreg [dreg:$0x3]  }
0x14: {  	[tilespmem:s2], [sflag:$0x1] =	stream.linear.gather [hbm4b:s23+s2], $0x80, $0x38;
	[tilespmem:$0x10080] =	vst v63  }
0x15: {  	_ =	swait.ge [sflag:s9], $0x80  }
0x16: {  	[sflag:s9] =	ssyncset.done $0x0  }
0x17: {  	s24 =	rddreg [dreg:$0x7];
	[sflag:s9] =	ssyncadd.s32 $0xFFFFFF80  }
0x18: {  	[tilespmem:s11], [sflag:$0x1] =	stream.linear.gather [hbm4b:s24+s2], $0x8000, $0x38;
	[tilespmem:$0x10080] =	vst v63  }
0x19: {  	s10 =	rddreg [dreg:$0x4]  }
0x1a: {  	[tilespmem:s28], [sflag:$0x2] =	stream.linear.gather [hbm4b:s10+s2], $0x8000, $0x38;
	[tilespmem:$0x10080] =	vst v63  }
0x1b: {  	_ =	swait.ge [sflag:s9], $0x8000  }
0x1c: {  	[sflag:s9] =	ssyncset.done $0x0  }
0x1d: {  	[sflag:s9] =	ssyncadd.s32 $0xFFFF8000  }
0x1e: {  	v3 =	vld [tilespmem:$0x0];
	_ =	sdelay $0x4  }
0x1f: {  	v4 =	vshll.u32 v3, $0x3  }
0x20: {  	v3 =	vand.u32 $0x7, v3;
	v4 =	vand.u32 $0xFFFFFFC0, v4  }
0x21: {  	v3 =	vor.u32 v3, v4  }
0x22: {  	v4 =	vperm.xlane v3, v0;
	_ =	sdelay $0x1  }
0x23: {  	v4 =	vadd.s32 v1, v4;
	_ =	sdelay $0x4  }
0x24: {  	[hbm4b:s3+s2] =	stream.indirect_vreg.scatter [tilespmem:s11], [sflag:$0x3], $0x80, v4, vm0, $0xb8;
	[tilespmem:$0x10080] =	vst v63  }
0x25: {  	s24 =	simm.s32 $0x880;
	v3 =	vperm.xlane v3, v2  }
0x26: {  	[hbm4b:s5+s2] =	stream.indirect_vreg.scatter [tilespmem:s24], [sflag:$0x3], $0x80, v4, vm0, $0xb8;
	[tilespmem:$0x10080] =	vst v63  }
0x27: {  	v3 =	vadd.s32 v1, v3  }
0x28: {  	[hbm4b:s6+s2] =	stream.indirect_vreg.scatter [tilespmem:s25], [sflag:$0x3], $0x80, v4, vm0, $0xb8;
	[tilespmem:$0x10080] =	vst v63  }
0x29: {  	_ = 	snop  }
0x2a: {  	[hbm4b:s7+s2] =	stream.indirect_vreg.scatter [tilespmem:s26], [sflag:$0x3], $0x80, v4, vm0, $0xb8;
	[tilespmem:$0x10080] =	vst v63  }
0x2b: {  	_ = 	snop  }
0x2c: {  	[hbm4b:s3+s2] =	stream.indirect_vreg.scatter [tilespmem:s29], [sflag:$0x3], $0x80, v3, vm0, $0xb8;
	[tilespmem:$0x10080] =	vst v63  }
0x2d: {  	_ = 	snop  }
0x2e: {  	[hbm4b:s5+s2] =	stream.indirect_vreg.scatter [tilespmem:s30], [sflag:$0x3], $0x80, v3, vm0, $0xb8;
	[tilespmem:$0x10080] =	vst v63  }
0x2f: {  	_ = 	snop  }
0x30: {  	[hbm4b:s6+s2] =	stream.indirect_vreg.scatter [tilespmem:s31], [sflag:$0x3], $0x80, v3, vm0, $0xb8;
	[tilespmem:$0x10080] =	vst v63  }
0x31: {  	_ = 	snop  }
0x32: {  	[hbm4b:s7+s2] =	stream.indirect_vreg.scatter [tilespmem:s1], [sflag:$0x3], $0x80, v3, vm0, $0xb8;
	[tilespmem:$0x10080] =	vst v63  }
0x33: {  	v3 =	vld [tilespmem:$0x10];
	_ =	sdelay $0x4  }
0x34: {  	v57 =	vshll.u32 v3, $0x3  }
0x35: {  	v3 =	vand.u32 $0x7, v3;
	v4 =	vand.u32 $0xFFFFFFC0, v57  }
0x36: {  	v3 =	vor.u32 v3, v4  }
0x37: {  	v4 =	vperm.xlane v3, v0;
	_ =	sdelay $0x1  }
0x38: {  	v4 =	vadd.s32 v1, v4;
	_ =	sdelay $0x4  }
0x39: {  	[hbm4b:s3+s2] =	stream.indirect_vreg.scatter [tilespmem:s4], [sflag:$0x3], $0x80, v4, vm0, $0xb8;
	[tilespmem:$0x10080] =	vst v63  }
0x3a: {  	v3 =	vperm.xlane v3, v2  }
0x3b: {  	[hbm4b:s5+s2] =	stream.indirect_vreg.scatter [tilespmem:s12], [sflag:$0x3], $0x80, v4, vm0, $0xb8;
	[tilespmem:$0x10080] =	vst v63  }
0x3c: {  	v3 =	vadd.s32 v1, v3  }
0x3d: {  	[hbm4b:s6+s2] =	stream.indirect_vreg.scatter [tilespmem:s13], [sflag:$0x3], $0x80, v4, vm0, $0xb8;
	[tilespmem:$0x10080] =	vst v63  }
0x3e: {  	_ = 	snop  }
0x3f: {  	[hbm4b:s7+s2] =	stream.indirect_vreg.scatter [tilespmem:s14], [sflag:$0x3], $0x80, v4, vm0, $0xb8;
	[tilespmem:$0x10080] =	vst v63  }
0x40: {  	_ = 	snop  }
0x41: {  	[hbm4b:s3+s2] =	stream.indirect_vreg.scatter [tilespmem:s15], [sflag:$0x3], $0x80, v3, vm0, $0xb8;
	[tilespmem:$0x10080] =	vst v63  }
0x42: {  	_ = 	snop  }
0x43: {  	[hbm4b:s5+s2] =	stream.indirect_vreg.scatter [tilespmem:s16], [sflag:$0x3], $0x80, v3, vm0, $0xb8;
	[tilespmem:$0x10080] =	vst v63  }
0x44: {  	_ = 	snop  }
0x45: {  	[hbm4b:s6+s2] =	stream.indirect_vreg.scatter [tilespmem:s17], [sflag:$0x3], $0x80, v3, vm0, $0xb8;
	[tilespmem:$0x10080] =	vst v63  }
0x46: {  	s0 =	simm.s32 $0x2  }
0x47: {  	[hbm4b:s7+s2] =	stream.indirect_vreg.scatter [tilespmem:s18], [sflag:$0x3], $0x80, v3, vm0, $0xb8;
	[tilespmem:$0x10080] =	vst v63  }
0x48: {  	_ =	swait.ge [sflag:s0], $0x8000  }
0x49: {  	[sflag:s0] =	ssyncset.done $0x0  }
0x4a: {  	[sflag:s0] =	ssyncadd.s32 $0xFFFF8000  }
0x4b: {  	v3 =	vld [tilespmem:$0x20];
	_ =	sdelay $0x4  }
0x4c: {  	v58 =	vshll.u32 v3, $0x3  }
0x4d: {  	v3 =	vand.u32 $0x7, v3;
	v4 =	vand.u32 $0xFFFFFFC0, v58  }
0x4e: {  	v3 =	vor.u32 v3, v4  }
0x4f: {  	v4 =	vperm.xlane v3, v0;
	_ =	sdelay $0x1  }
0x50: {  	v4 =	vadd.s32 v1, v4;
	_ =	sdelay $0x4  }
0x51: {  	[hbm4b:s3+s2] =	stream.indirect_vreg.scatter [tilespmem:s28], [sflag:$0x4], $0x80, v4, vm0, $0xb8;
	[tilespmem:$0x10080] =	vst v63  }
0x52: {  	v3 =	vperm.xlane v3, v2  }
0x53: {  	[hbm4b:s5+s2] =	stream.indirect_vreg.scatter [tilespmem:s19], [sflag:$0x4], $0x80, v4, vm0, $0xb8;
	[tilespmem:$0x10080] =	vst v63  }
0x54: {  	v3 =	vadd.s32 v1, v3  }
0x55: {  	[hbm4b:s6+s2] =	stream.indirect_vreg.scatter [tilespmem:s20], [sflag:$0x4], $0x80, v4, vm0, $0xb8;
	[tilespmem:$0x10080] =	vst v63  }
0x56: {  	s10 =	simm.s32 $0x9880  }
0x57: {  	[hbm4b:s7+s2] =	stream.indirect_vreg.scatter [tilespmem:s10], [sflag:$0x4], $0x80, v4, vm0, $0xb8;
	[tilespmem:$0x10080] =	vst v63  }
0x58: {  	s10 =	simm.s32 $0xA080  }
0x59: {  	[hbm4b:s3+s2] =	stream.indirect_vreg.scatter [tilespmem:s10], [sflag:$0x4], $0x80, v3, vm0, $0xb8;
	[tilespmem:$0x10080] =	vst v63  }
0x5a: {  	s23 =	simm.s32 $0xA880  }
0x5b: {  	[hbm4b:s5+s2] =	stream.indirect_vreg.scatter [tilespmem:s23], [sflag:$0x4], $0x80, v3, vm0, $0xb8;
	[tilespmem:$0x10080] =	vst v63  }
0x5c: {  	s23 =	simm.s32 $0xB080  }
0x5d: {  	[hbm4b:s6+s2] =	stream.indirect_vreg.scatter [tilespmem:s23], [sflag:$0x4], $0x80, v3, vm0, $0xb8;
	[tilespmem:$0x10080] =	vst v63  }
0x5e: {  	s23 =	simm.s32 $0xB880  }
0x5f: {  	[hbm4b:s7+s2] =	stream.indirect_vreg.scatter [tilespmem:s23], [sflag:$0x4], $0x80, v3, vm0, $0xb8;
	[tilespmem:$0x10080] =	vst v63  }
0x60: {  	v3 =	vld [tilespmem:$0x30];
	_ =	sdelay $0x4  }
0x61: {  	v59 =	vshll.u32 v3, $0x3  }
0x62: {  	v3 =	vand.u32 $0x7, v3;
	v4 =	vand.u32 $0xFFFFFFC0, v59  }
0x63: {  	v3 =	vor.u32 v3, v4  }
0x64: {  	v4 =	vperm.xlane v3, v0;
	_ =	sdelay $0x1  }
0x65: {  	v4 =	vadd.s32 v1, v4;
	_ =	sdelay $0x3  }
0x66: {  	s23 =	simm.s32 $0xC080  }
0x67: {  	[hbm4b:s3+s2] =	stream.indirect_vreg.scatter [tilespmem:s23], [sflag:$0x4], $0x80, v4, vm0, $0xb8;
	[tilespmem:$0x10080] =	vst v63  }
0x68: {  	v3 =	vperm.xlane v3, v2;
	s23 =	simm.s32 $0xC880  }
0x69: {  	[hbm4b:s5+s2] =	stream.indirect_vreg.scatter [tilespmem:s23], [sflag:$0x4], $0x80, v4, vm0, $0xb8;
	[tilespmem:$0x10080] =	vst v63  }
0x6a: {  	v3 =	vadd.s32 v1, v3;
	s23 =	simm.s32 $0xD080  }
0x6b: {  	[hbm4b:s6+s2] =	stream.indirect_vreg.scatter [tilespmem:s23], [sflag:$0x4], $0x80, v4, vm0, $0xb8;
	[tilespmem:$0x10080] =	vst v63  }
0x6c: {  	s23 =	simm.s32 $0xD880  }
0x6d: {  	[hbm4b:s7+s2] =	stream.indirect_vreg.scatter [tilespmem:s23], [sflag:$0x4], $0x80, v4, vm0, $0xb8;
	[tilespmem:$0x10080] =	vst v63  }
0x6e: {  	s23 =	simm.s32 $0xE080  }
0x6f: {  	[hbm4b:s3+s2] =	stream.indirect_vreg.scatter [tilespmem:s23], [sflag:$0x4], $0x80, v3, vm0, $0xb8;
	[tilespmem:$0x10080] =	vst v63  }
0x70: {  	s23 =	simm.s32 $0xE880  }
0x71: {  	[hbm4b:s5+s2] =	stream.indirect_vreg.scatter [tilespmem:s23], [sflag:$0x4], $0x80, v3, vm0, $0xb8;
	[tilespmem:$0x10080] =	vst v63  }
0x72: {  	s23 =	simm.s32 $0xF080  }
0x73: {  	[hbm4b:s6+s2] =	stream.indirect_vreg.scatter [tilespmem:s23], [sflag:$0x4], $0x80, v3, vm0, $0xb8;
	[tilespmem:$0x10080] =	vst v63  }
0x74: {  	s23 =	simm.s32 $0xF880  }
0x75: {  	[hbm4b:s7+s2] =	stream.indirect_vreg.scatter [tilespmem:s23], [sflag:$0x4], $0x80, v3, vm0, $0xb8;
	[tilespmem:$0x10080] =	vst v63  }
0x76: {  	_ =	swait.ge [sflag:s21], $0x8000  }
0x77: {  	[sflag:s21] =	ssyncset.done $0x0  }
0x78: {  	s23 =	rddreg [dreg:$0x5];
	[sflag:s21] =	ssyncadd.s32 $0xFFFF8000  }
0x79: {  	[tilespmem:s11], [sflag:$0x1] =	stream.linear.gather [hbm4b:s23+s2], $0x8000, $0x38;
	[tilespmem:$0x10080] =	vst v63  }
0x7a: {  	_ =	swait.ge [sflag:s9], $0x8000  }
0x7b: {  	[sflag:s9] =	ssyncset.done $0x0  }
0x7c: {  	[sflag:s9] =	ssyncadd.s32 $0xFFFF8000  }
0x7d: {  	v3 =	vld [tilespmem:$0x40];
	_ =	sdelay $0x4  }
0x7e: {  	v60 =	vshll.u32 v3, $0x3  }
0x7f: {  	v3 =	vand.u32 $0x7, v3;
	v4 =	vand.u32 $0xFFFFFFC0, v60  }
0x80: {  	v3 =	vor.u32 v3, v4  }
0x81: {  	v4 =	vperm.xlane v3, v0;
	_ =	sdelay $0x1  }
0x82: {  	v4 =	vadd.s32 v1, v4;
	_ =	sdelay $0x4  }
0x83: {  	[hbm4b:s3+s2] =	stream.indirect_vreg.scatter [tilespmem:s11], [sflag:$0x3], $0x80, v4, vm0, $0xb8;
	[tilespmem:$0x10080] =	vst v63  }
0x84: {  	v3 =	vperm.xlane v3, v2  }
0x85: {  	[hbm4b:s5+s2] =	stream.indirect_vreg.scatter [tilespmem:s24], [sflag:$0x3], $0x80, v4, vm0, $0xb8;
	[tilespmem:$0x10080] =	vst v63  }
0x86: {  	v3 =	vadd.s32 v1, v3  }
0x87: {  	[hbm4b:s6+s2] =	stream.indirect_vreg.scatter [tilespmem:s25], [sflag:$0x3], $0x80, v4, vm0, $0xb8;
	[tilespmem:$0x10080] =	vst v63  }
0x88: {  	_ = 	snop  }
0x89: {  	[hbm4b:s7+s2] =	stream.indirect_vreg.scatter [tilespmem:s26], [sflag:$0x3], $0x80, v4, vm0, $0xb8;
	[tilespmem:$0x10080] =	vst v63  }
0x8a: {  	_ = 	snop  }
0x8b: {  	[hbm4b:s3+s2] =	stream.indirect_vreg.scatter [tilespmem:s29], [sflag:$0x3], $0x80, v3, vm0, $0xb8;
	[tilespmem:$0x10080] =	vst v63  }
0x8c: {  	_ = 	snop  }
0x8d: {  	[hbm4b:s5+s2] =	stream.indirect_vreg.scatter [tilespmem:s30], [sflag:$0x3], $0x80, v3, vm0, $0xb8;
	[tilespmem:$0x10080] =	vst v63  }
0x8e: {  	_ = 	snop  }
0x8f: {  	[hbm4b:s6+s2] =	stream.indirect_vreg.scatter [tilespmem:s31], [sflag:$0x3], $0x80, v3, vm0, $0xb8;
	[tilespmem:$0x10080] =	vst v63  }
0x90: {  	_ = 	snop  }
0x91: {  	[hbm4b:s7+s2] =	stream.indirect_vreg.scatter [tilespmem:s1], [sflag:$0x3], $0x80, v3, vm0, $0xb8;
	[tilespmem:$0x10080] =	vst v63  }
0x92: {  	v3 =	vld [tilespmem:$0x50];
	_ =	sdelay $0x4  }
0x93: {  	v61 =	vshll.u32 v3, $0x3  }
0x94: {  	v3 =	vand.u32 $0x7, v3;
	v4 =	vand.u32 $0xFFFFFFC0, v61  }
0x95: {  	v3 =	vor.u32 v3, v4  }
0x96: {  	v4 =	vperm.xlane v3, v0;
	_ =	sdelay $0x1  }
0x97: {  	v4 =	vadd.s32 v1, v4;
	_ =	sdelay $0x4  }
0x98: {  	[hbm4b:s3+s2] =	stream.indirect_vreg.scatter [tilespmem:s4], [sflag:$0x3], $0x80, v4, vm0, $0xb8;
	[tilespmem:$0x10080] =	vst v63  }
0x99: {  	v3 =	vperm.xlane v3, v2  }
0x9a: {  	[hbm4b:s5+s2] =	stream.indirect_vreg.scatter [tilespmem:s12], [sflag:$0x3], $0x80, v4, vm0, $0xb8;
	[tilespmem:$0x10080] =	vst v63  }
0x9b: {  	v3 =	vadd.s32 v1, v3  }
0x9c: {  	[hbm4b:s6+s2] =	stream.indirect_vreg.scatter [tilespmem:s13], [sflag:$0x3], $0x80, v4, vm0, $0xb8;
	[tilespmem:$0x10080] =	vst v63  }
0x9d: {  	_ = 	snop  }
0x9e: {  	[hbm4b:s7+s2] =	stream.indirect_vreg.scatter [tilespmem:s14], [sflag:$0x3], $0x80, v4, vm0, $0xb8;
	[tilespmem:$0x10080] =	vst v63  }
0x9f: {  	_ = 	snop  }
0xa0: {  	[hbm4b:s3+s2] =	stream.indirect_vreg.scatter [tilespmem:s15], [sflag:$0x3], $0x80, v3, vm0, $0xb8;
	[tilespmem:$0x10080] =	vst v63  }
0xa1: {  	_ = 	snop  }
0xa2: {  	[hbm4b:s5+s2] =	stream.indirect_vreg.scatter [tilespmem:s16], [sflag:$0x3], $0x80, v3, vm0, $0xb8;
	[tilespmem:$0x10080] =	vst v63  }
0xa3: {  	_ = 	snop  }
0xa4: {  	[hbm4b:s6+s2] =	stream.indirect_vreg.scatter [tilespmem:s17], [sflag:$0x3], $0x80, v3, vm0, $0xb8;
	[tilespmem:$0x10080] =	vst v63  }
0xa5: {  	_ = 	snop  }
0xa6: {  	[hbm4b:s7+s2] =	stream.indirect_vreg.scatter [tilespmem:s18], [sflag:$0x3], $0x80, v3, vm0, $0xb8;
	[tilespmem:$0x10080] =	vst v63  }
0xa7: {  	_ =	swait.ge [sflag:s22], $0x8000  }
0xa8: {  	[sflag:s22] =	ssyncset.done $0x0  }
0xa9: {  	s24 =	rddreg [dreg:$0x6];
	[sflag:s22] =	ssyncadd.s32 $0xFFFF8000  }
0xaa: {  	[tilespmem:s28], [sflag:$0x2] =	stream.linear.gather [hbm4b:s24+s2], $0x8000, $0x38;
	[tilespmem:$0x10080] =	vst v63  }
0xab: {  	_ =	swait.ge [sflag:s0], $0x8000  }
0xac: {  	[sflag:s0] =	ssyncset.done $0x0  }
0xad: {  	[sflag:s0] =	ssyncadd.s32 $0xFFFF8000  }
0xae: {  	v3 =	vld [tilespmem:$0x60];
	_ =	sdelay $0x4  }
0xaf: {  	v62 =	vshll.u32 v3, $0x3  }
0xb0: {  	v3 =	vand.u32 $0x7, v3;
	v4 =	vand.u32 $0xFFFFFFC0, v62  }
0xb1: {  	v3 =	vor.u32 v3, v4  }
0xb2: {  	v4 =	vperm.xlane v3, v0;
	_ =	sdelay $0x1  }
0xb3: {  	v4 =	vadd.s32 v1, v4;
	_ =	sdelay $0x4  }
0xb4: {  	[hbm4b:s3+s2] =	stream.indirect_vreg.scatter [tilespmem:s28], [sflag:$0x4], $0x80, v4, vm0, $0xb8;
	[tilespmem:$0x10080] =	vst v63  }
0xb5: {  	v3 =	vperm.xlane v3, v2  }
0xb6: {  	[hbm4b:s5+s2] =	stream.indirect_vreg.scatter [tilespmem:s19], [sflag:$0x4], $0x80, v4, vm0, $0xb8;
	[tilespmem:$0x10080] =	vst v63  }
0xb7: {  	v3 =	vadd.s32 v1, v3  }
0xb8: {  	[hbm4b:s6+s2] =	stream.indirect_vreg.scatter [tilespmem:s20], [sflag:$0x4], $0x80, v4, vm0, $0xb8;
	[tilespmem:$0x10080] =	vst v63  }
0xb9: {  	s24 =	simm.s32 $0x9880  }
0xba: {  	[hbm4b:s7+s2] =	stream.indirect_vreg.scatter [tilespmem:s24], [sflag:$0x4], $0x80, v4, vm0, $0xb8;
	[tilespmem:$0x10080] =	vst v63  }
0xbb: {  	_ = 	snop  }
0xbc: {  	[hbm4b:s3+s2] =	stream.indirect_vreg.scatter [tilespmem:s10], [sflag:$0x4], $0x80, v3, vm0, $0xb8;
	[tilespmem:$0x10080] =	vst v63  }
0xbd: {  	s23 =	simm.s32 $0xA880  }
0xbe: {  	[hbm4b:s5+s2] =	stream.indirect_vreg.scatter [tilespmem:s23], [sflag:$0x4], $0x80, v3, vm0, $0xb8;
	[tilespmem:$0x10080] =	vst v63  }
0xbf: {  	s24 =	simm.s32 $0xB080  }
0xc0: {  	[hbm4b:s6+s2] =	stream.indirect_vreg.scatter [tilespmem:s24], [sflag:$0x4], $0x80, v3, vm0, $0xb8;
	[tilespmem:$0x10080] =	vst v63  }
0xc1: {  	s10 =	simm.s32 $0xB880  }
0xc2: {  	[hbm4b:s7+s2] =	stream.indirect_vreg.scatter [tilespmem:s10], [sflag:$0x4], $0x80, v3, vm0, $0xb8;
	[tilespmem:$0x10080] =	vst v63  }
0xc3: {  	v3 =	vld [tilespmem:$0x70];
	_ =	sdelay $0x4  }
0xc4: {  	v63 =	vshll.u32 v3, $0x3  }
0xc5: {  	v3 =	vand.u32 $0x7, v3;
	v4 =	vand.u32 $0xFFFFFFC0, v63  }
0xc6: {  	v3 =	vor.u32 v3, v4  }
0xc7: {  	v4 =	vperm.xlane v3, v0;
	_ =	sdelay $0x1  }
0xc8: {  	v4 =	vadd.s32 v1, v4;
	_ =	sdelay $0x3  }
0xc9: {  	s23 =	simm.s32 $0xC080  }
0xca: {  	[hbm4b:s3+s2] =	stream.indirect_vreg.scatter [tilespmem:s23], [sflag:$0x4], $0x80, v4, vm0, $0xb8;
	[tilespmem:$0x10080] =	vst v63  }
0xcb: {  	s24 =	simm.s32 $0xC880;
	v3 =	vperm.xlane v3, v2  }
0xcc: {  	[hbm4b:s5+s2] =	stream.indirect_vreg.scatter [tilespmem:s24], [sflag:$0x4], $0x80, v4, vm0, $0xb8;
	[tilespmem:$0x10080] =	vst v63  }
0xcd: {  	s10 =	simm.s32 $0xD080;
	v3 =	vadd.s32 v1, v3  }
0xce: {  	[hbm4b:s6+s2] =	stream.indirect_vreg.scatter [tilespmem:s10], [sflag:$0x4], $0x80, v4, vm0, $0xb8;
	[tilespmem:$0x10080] =	vst v63  }
0xcf: {  	s23 =	simm.s32 $0xD880  }
0xd0: {  	[hbm4b:s7+s2] =	stream.indirect_vreg.scatter [tilespmem:s23], [sflag:$0x4], $0x80, v4, vm0, $0xb8;
	[tilespmem:$0x10080] =	vst v63  }
0xd1: {  	s24 =	simm.s32 $0xE080  }
0xd2: {  	[hbm4b:s3+s2] =	stream.indirect_vreg.scatter [tilespmem:s24], [sflag:$0x4], $0x80, v3, vm0, $0xb8;
	[tilespmem:$0x10080] =	vst v63  }
0xd3: {  	s10 =	simm.s32 $0xE880  }
0xd4: {  	[hbm4b:s5+s2] =	stream.indirect_vreg.scatter [tilespmem:s10], [sflag:$0x4], $0x80, v3, vm0, $0xb8;
	[tilespmem:$0x10080] =	vst v63  }
0xd5: {  	s23 =	simm.s32 $0xF080  }
0xd6: {  	[hbm4b:s6+s2] =	stream.indirect_vreg.scatter [tilespmem:s23], [sflag:$0x4], $0x80, v3, vm0, $0xb8;
	[tilespmem:$0x10080] =	vst v63  }
0xd7: {  	s24 =	simm.s32 $0xF880  }
0xd8: {  	[hbm4b:s7+s2] =	stream.indirect_vreg.scatter [tilespmem:s24], [sflag:$0x4], $0x80, v3, vm0, $0xb8;
	[tilespmem:$0x10080] =	vst v63  }
0xd9: {  	p0 =	sne.s32 s8, $0x1;
	_ =	swait.ge [sflag:s21], $0x8000  }
.Ltmp0:
0xda: {  	[sflag:s21] =	ssyncset.done $0x0;
	(pc) =	sbr.rel @p0 .LBB2_1-.Ltmp0, $4  }
0xdb: {  	[sflag:s21] =	ssyncadd.s32 $0xFFFF8000  }
0xdc: {  	_ =	swait.ge [sflag:s22], $0x8000  }
0xdd: {  	[sflag:s22] =	ssyncset.done $0x0  }
0xde: {  	s8 =	sadd.s32 $0xFFFFFFFF, s8;
	[sflag:s22] =	ssyncadd.s32 $0xFFFF8000  }
0xdf: {  	_ =	sfence.sel $0x180000  }
0xe0: {  	[bflag:$0x0] =	sbarrier.arrive $0xFFFF  }
0xe1: {  	_ =	strace $0x90000047  }
0xe2: {  	s0 =	stileid.u32;
	[bflag:$0x2] =	sbarrier.arrive $0xFFFF  }
0xe3: {  	p0 =	sne.s32 s0, $0x0;
	s0 =	rddreg [dreg:$0x2]  }
0xe4: {  	s0 =	sadd.s32 @!p0 $0x100000, s0  }
0xe5: {  	[sflag:s0] =	ssyncadd.tile.s32 @!p0 $0x1;
	_ =	shalt  }
.Lfunc_end2:
_tile_overlayer_lowered:
.L_overlay_start_2:
0xe6: {  	(tag) =	ssettag $0x2  }
0xe7: {  	s0 =	rddreg [dreg:$0x0];
	s2 =	stileid.u32  }
0xe8: {  	s1 =	rddreg [dreg:$0x1];
	p0 =	sne.s32 s2, $0x0  }
0xe9: {  	s3 =	rddreg [dreg:$0x2];
	[bflag:$0x3] =	sbarrier.arrive $0xFFFF;
	s2 =	simm.s32 @!p0 $0x1C05  }
0xea: {  	[timem:s3], [sflag:s2] =	dma.local @!p0 [hbm:s0], s1  }
0xeb: {  	s0 =	simm.s32 @!p0 $0x5  }
0xec: {  	_ =	swait.ge @!p0 [sflag:s0], s1  }
0xed: {  	s1 =	ssub.s32 @!p0 $0x0, s1;
	[sflag:s0] =	ssyncset.done @!p0 $0x0  }
0xee: {  	[sflag:s0] =	ssyncadd.s32 @!p0 s1  }
0xef: {  	[bflag:$0x3] =	sbarrier.arrive $0xFFFF  }
0xf0: {  	_ =	shalt  }

</sc_bundles>
